<compile_context>
chip_gen: v7x
topology: tpu7x:2x2x1
jax: 0.10.2.dev20260603
libtpu: 0.0.44.dev20260713+nightly
codegen_flags: <defaults>
</compile_context>

<pallas_src>
import functools

import jax
import jax.numpy as jnp
from jax import lax
from jax.experimental import pallas as pl
from jax.experimental.pallas import tpu as pltpu
from jax.experimental.pallas import tpu_sc as plsc

_NW = 32


def _sc_gather_native(tt, xt):
    d_model, v = tt.shape
    s_len, b = xt.shape
    n_full = s_len // _NW
    tail_s0 = n_full * _NW
    n_tail = s_len - tail_s0
    tw = n_tail * b // _NW
    per_tail = b // tw
    total = n_full * b + tw
    mesh = plsc.VectorSubcoreMesh(core_axis_name="c", subcore_axis_name="s")

    @functools.partial(
        pl.kernel,
        out_type=jax.ShapeDtypeStruct((s_len, d_model, b), tt.dtype),
        mesh=mesh,
        scratch_types=[
            pltpu.VMEM((total,), jnp.int32),
            pltpu.VMEM((total,), tt.dtype),
            pltpu.VMEM_SHARED((v,), tt.dtype),
            pltpu.SemaphoreType.DMA,
            pltpu.SemaphoreType.DMA,
        ],
    )
    def k(tt_hbm, xt_hbm, out_hbm, idx_v, val, row, sem_a, sem_o):
        cid = lax.axis_index("c")
        sid = lax.axis_index("s")
        wid = cid * 16 + sid
        tail_s = tail_s0 + wid // per_tail
        tail_q = (wid % per_tail) * tw

        for j in range(n_full):
            pltpu.sync_copy(xt_hbm.at[wid + j * _NW], idx_v.at[pl.ds(j * b, b)])
        pltpu.sync_copy(
            xt_hbm.at[tail_s, pl.ds(tail_q, tw)],
            idx_v.at[pl.ds(n_full * b, tw)],
        )

        @pl.when(sid == 0)
        def _():
            pltpu.async_copy(tt_hbm.at[0], row, sem_a)

        def writes(d, fire):
            for j in range(n_full):
                args = (val.at[pl.ds(j * b, b)], out_hbm.at[wid + j * _NW, d], sem_o)
                if fire:
                    pltpu.async_copy(*args)
                else:
                    pltpu.make_async_copy(*args).wait()
            args = (
                val.at[pl.ds(n_full * b, tw)],
                out_hbm.at[tail_s, d, pl.ds(tail_q, tw)],
                sem_o,
            )
            if fire:
                pltpu.async_copy(*args)
            else:
                pltpu.make_async_copy(*args).wait()

        def do_dim(d, first):
            @pl.when(sid == 0)
            def _():
                pltpu.make_async_copy(tt_hbm.at[d], row, sem_a).wait()

            plsc.subcore_barrier()

            if not first:
                writes(d - 1, fire=False)

            pltpu.sync_copy(row.at[idx_v], val)

            plsc.subcore_barrier()

            @pl.when((sid == 0) & (d + 1 < d_model))
            def _():
                pltpu.async_copy(tt_hbm.at[d + 1], row, sem_a)

            writes(d, fire=True)

        do_dim(0, True)

        @pl.loop(1, d_model)
        def _(d):
            do_dim(d, False)

        writes(d_model - 1, fire=False)

    return k(tt, xt)


def kernel(x, embed_weight):
    out = _sc_gather_native(embed_weight.T, x.T.astype(jnp.int32))
    return out.transpose(2, 0, 1)

# --- scband reference (transcript-rebuilt; emitter-appended) ---
"""Pipeline reference for scband-embedder-18485539242852 (READ-ONLY COPY).

The authoritative reference and input builder live on the scoring server;
editing this copy changes nothing except your own understanding.
"""

import jax, jax.numpy as jnp
import numpy as np

VOCAB_SIZE = 1000000
D_MODEL = 64

def setup_inputs(seed: int = 0) -> dict:
    key = jax.random.key(seed)
    k1, k2 = jax.random.split(key)
    x = jax.random.randint(k1, (4096, 200), 0, VOCAB_SIZE, dtype=jnp.int64 if jax.config.jax_enable_x64 else jnp.int32)
    embed_weight = jax.random.normal(k2, (VOCAB_SIZE, D_MODEL), dtype=jnp.float32)
    return {"x": x, "embed_weight": embed_weight}

def reference(x, embed_weight):
    # nn.Embedding forward: gather rows of the table by index
    return jnp.take(embed_weight, x, axis=0)

if __name__ == "__main__":
    import jax
    _d = setup_inputs()
    print(jax.jit(kernel)(*tuple(_d.values())))

</pallas_src>

<mosaic_0001>
#map = affine_map<(d0, d1) -> (0, 0)>
#map1 = affine_map<(d0, d1) -> (0, 0, 0)>
module attributes {stable_mosaic.version = 14 : i64} {
  func.func @k(%arg0: i32, %arg1: i32, %arg2: memref<64x1000000xf32, #tpu.memory_space<hbm>>, %arg3: memref<200x4096xi32, #tpu.memory_space<hbm>>, %arg4: memref<200x64x4096xf32, #tpu.memory_space<hbm>>, %arg5: memref<25600xi32, #tpu.memory_space<vmem>>, %arg6: memref<25600xf32, #tpu.memory_space<vmem>>, %arg7: memref<1000000xf32, #tpu.memory_space<vmem_shared>>, %arg8: memref<!tpu.dma_semaphore, #tpu.memory_space<semaphore_mem>>, %arg9: memref<!tpu.dma_semaphore, #tpu.memory_space<semaphore_mem>>) attributes {dimension_semantics = [#tpu.dimension_semantics<core_parallel>, #tpu.dimension_semantics<subcore_parallel>], iteration_bounds = array<i64: 2, 16>, scalar_prefetch = 0 : i64, scratch_operands = 5 : i64, tpu.core_type = #tpu.core_type<sc_vector_subcore>, window_params = [{transform_indices = #map}, {transform_indices = #map}, {transform_indices = #map1}]} {
    %mul3A = arith.constant 16 : i32
    %mul3A_0 = arith.muli %arg0, %mul3A : i32
    %add3A = arith.addi %mul3A_0, %arg1 : i32
    %jit3A = arith.constant 4 : i32
    %div3A = arith.divsi %add3A, %jit3A : i32
    %sign3A = arith.constant 0 : i32
    %sign3A_1 = arith.cmpi sgt, %add3A, %sign3A : i32
    %sign3A_2 = arith.extui %sign3A_1 : i1 to i32
    %sign3A_3 = arith.constant 0 : i32
    %sign3A_4 = arith.cmpi slt, %add3A, %sign3A_3 : i32
    %sign3A_5 = arith.extui %sign3A_4 : i1 to i32
    %sign3A_6 = arith.subi %sign3A_2, %sign3A_5 : i32
    %sign3A_7 = arith.constant 0 : i32
    %sign3A_8 = arith.cmpi sgt, %jit3A, %sign3A_7 : i32
    %sign3A_9 = arith.extui %sign3A_8 : i1 to i32
    %sign3A_10 = arith.constant 0 : i32
    %sign3A_11 = arith.cmpi slt, %jit3A, %sign3A_10 : i32
    %sign3A_12 = arith.extui %sign3A_11 : i1 to i32
    %sign3A_13 = arith.subi %sign3A_9, %sign3A_12 : i32
    %ne3A = arith.cmpi ne, %sign3A_6, %sign3A_13 : i32
    %rem3A = arith.remsi %add3A, %jit3A : i32
    %ne3A_14 = arith.constant 0 : i32
    %ne3A_15 = arith.cmpi ne, %rem3A, %ne3A_14 : i32
    %and3A = arith.andi %ne3A, %ne3A_15 : i1
    %sub3A = arith.constant 1 : i32
    %sub3A_16 = arith.subi %div3A, %sub3A : i32
    %select_n3A = arith.select %and3A, %sub3A_16, %div3A : i32
    %add3A_17 = arith.constant 192 : i32
    %add3A_18 = arith.addi %add3A_17, %select_n3A : i32
    %jit3A_19 = arith.constant 4 : i32
    %eq3A = arith.constant 0 : i32
    %eq3A_20 = arith.cmpi eq, %jit3A_19, %eq3A : i32
    %jit3A_21 = arith.constant 1 : i32
    %select_n3A_22 = arith.select %eq3A_20, %jit3A_21, %jit3A_19 : i32
    %rem3A_23 = arith.remsi %add3A, %select_n3A_22 : i32
    %ne3A_24 = arith.constant 0 : i32
    %ne3A_25 = arith.cmpi ne, %rem3A_23, %ne3A_24 : i32
    %lt3A = arith.constant 0 : i32
    %lt3A_26 = arith.cmpi slt, %rem3A_23, %lt3A : i32
    %lt3A_27 = arith.constant 0 : i32
    %lt3A_28 = arith.cmpi slt, %select_n3A_22, %lt3A_27 : i32
    %ne3A_29 = arith.xori %lt3A_26, %lt3A_28 : i1
    %and3A_30 = arith.andi %ne3A_29, %ne3A_25 : i1
    %add3A_31 = arith.addi %rem3A_23, %select_n3A_22 : i32
    %select_n3A_32 = arith.select %and3A_30, %add3A_31, %rem3A_23 : i32
    %mul3A_33 = arith.constant 1024 : i32
    %mul3A_34 = arith.muli %select_n3A_32, %mul3A_33 : i32
    %add3A_35 = arith.constant 0 : i32
    %add3A_36 = arith.addi %add3A, %add3A_35 : i32
    "tpu.region"() ({
      %run_scoped3A = tpu.sem_alloc : memref<!tpu.dma_semaphore, #tpu.memory_space<semaphore_mem>>
      %dma_start3A_239 = arith.constant 0 : i32
      %dma_start3A_240 = tpu.memref_slice %arg5[%dma_start3A_239] : memref<25600xi32, #tpu.memory_space<vmem>> -> memref<4096xi32, #tpu.memory_space<vmem>>
      %dma_start3A_241 = arith.constant 0 : i32
      %dma_start3A_242 = tpu.memref_slice %arg3[%add3A_36, %dma_start3A_241] : memref<200x4096xi32, #tpu.memory_space<hbm>> -> memref<1x4096xi32, #tpu.memory_space<hbm>>
      %dma_start3A_243 = tpu.memref_squeeze %dma_start3A_242 : memref<1x4096xi32, #tpu.memory_space<hbm>> -> memref<4096xi32, #tpu.memory_space<hbm>>
      %dma_start3A_244 = arith.constant 0 : i32
      %dma_start3A_245 = tpu.memref_slice %arg5[%dma_start3A_244] : memref<25600xi32, #tpu.memory_space<vmem>> -> memref<4096xi32, #tpu.memory_space<vmem>>
      %dma_start3A_246 = arith.constant 0 : i32
      %dma_start3A_247 = tpu.memref_slice %arg3[%add3A_36, %dma_start3A_246] : memref<200x4096xi32, #tpu.memory_space<hbm>> -> memref<1x4096xi32, #tpu.memory_space<hbm>>
      %dma_start3A_248 = tpu.memref_squeeze %dma_start3A_247 : memref<1x4096xi32, #tpu.memory_space<hbm>> -> memref<4096xi32, #tpu.memory_space<hbm>>
      tpu.enqueue_dma source(%dma_start3A_248 : memref<4096xi32, #tpu.memory_space<hbm>>) target(%dma_start3A_245 : memref<4096xi32, #tpu.memory_space<vmem>>) target_semaphore(%run_scoped3A : memref<!tpu.dma_semaphore, #tpu.memory_space<semaphore_mem>>)
      %dma_wait3A_249 = arith.constant 0 : i32
      %dma_wait3A_250 = tpu.memref_slice %arg5[%dma_wait3A_249] : memref<25600xi32, #tpu.memory_space<vmem>> -> memref<4096xi32, #tpu.memory_space<vmem>>
      %dma_wait3A_251 = arith.constant 0 : i32
      %dma_wait3A_252 = tpu.memref_slice %arg3[%add3A_36, %dma_wait3A_251] : memref<200x4096xi32, #tpu.memory_space<hbm>> -> memref<1x4096xi32, #tpu.memory_space<hbm>>
      %dma_wait3A_253 = tpu.memref_squeeze %dma_wait3A_252 : memref<1x4096xi32, #tpu.memory_space<hbm>> -> memref<4096xi32, #tpu.memory_space<hbm>>
      %dma_wait3A_254 = arith.constant 0 : i32
      %dma_wait3A_255 = tpu.memref_slice %arg5[%dma_wait3A_254] : memref<25600xi32, #tpu.memory_space<vmem>> -> memref<4096xi32, #tpu.memory_space<vmem>>
      %dma_wait3A_256 = arith.constant 0 : i32
      %dma_wait3A_257 = tpu.memref_slice %arg3[%add3A_36, %dma_wait3A_256] : memref<200x4096xi32, #tpu.memory_space<hbm>> -> memref<1x4096xi32, #tpu.memory_space<hbm>>
      %dma_wait3A_258 = tpu.memref_squeeze %dma_wait3A_257 : memref<1x4096xi32, #tpu.memory_space<hbm>> -> memref<4096xi32, #tpu.memory_space<hbm>>
      tpu.wait_dma2 semaphore(%run_scoped3A : memref<!tpu.dma_semaphore, #tpu.memory_space<semaphore_mem>>) src(%dma_wait3A_258 : memref<4096xi32, #tpu.memory_space<hbm>>) dst(%dma_wait3A_255 : memref<4096xi32, #tpu.memory_space<vmem>>)
      tpu.yield
    }) : () -> ()
    %add3A_37 = arith.constant 32 : i32
    %add3A_38 = arith.addi %add3A, %add3A_37 : i32
    "tpu.region"() ({
      %run_scoped3A = tpu.sem_alloc : memref<!tpu.dma_semaphore, #tpu.memory_space<semaphore_mem>>
      %dma_start3A_239 = arith.constant 4096 : i32
      %dma_start3A_240 = tpu.memref_slice %arg5[%dma_start3A_239] : memref<25600xi32, #tpu.memory_space<vmem>> -> memref<4096xi32, #tpu.memory_space<vmem>>
      %dma_start3A_241 = arith.constant 0 : i32
      %dma_start3A_242 = tpu.memref_slice %arg3[%add3A_38, %dma_start3A_241] : memref<200x4096xi32, #tpu.memory_space<hbm>> -> memref<1x4096xi32, #tpu.memory_space<hbm>>
      %dma_start3A_243 = tpu.memref_squeeze %dma_start3A_242 : memref<1x4096xi32, #tpu.memory_space<hbm>> -> memref<4096xi32, #tpu.memory_space<hbm>>
      %dma_start3A_244 = arith.constant 4096 : i32
      %dma_start3A_245 = tpu.memref_slice %arg5[%dma_start3A_244] : memref<25600xi32, #tpu.memory_space<vmem>> -> memref<4096xi32, #tpu.memory_space<vmem>>
      %dma_start3A_246 = arith.constant 0 : i32
      %dma_start3A_247 = tpu.memref_slice %arg3[%add3A_38, %dma_start3A_246] : memref<200x4096xi32, #tpu.memory_space<hbm>> -> memref<1x4096xi32, #tpu.memory_space<hbm>>
      %dma_start3A_248 = tpu.memref_squeeze %dma_start3A_247 : memref<1x4096xi32, #tpu.memory_space<hbm>> -> memref<4096xi32, #tpu.memory_space<hbm>>
      tpu.enqueue_dma source(%dma_start3A_248 : memref<4096xi32, #tpu.memory_space<hbm>>) target(%dma_start3A_245 : memref<4096xi32, #tpu.memory_space<vmem>>) target_semaphore(%run_scoped3A : memref<!tpu.dma_semaphore, #tpu.memory_space<semaphore_mem>>)
      %dma_wait3A_249 = arith.constant 4096 : i32
      %dma_wait3A_250 = tpu.memref_slice %arg5[%dma_wait3A_249] : memref<25600xi32, #tpu.memory_space<vmem>> -> memref<4096xi32, #tpu.memory_space<vmem>>
      %dma_wait3A_251 = arith.constant 0 : i32
      %dma_wait3A_252 = tpu.memref_slice %arg3[%add3A_38, %dma_wait3A_251] : memref<200x4096xi32, #tpu.memory_space<hbm>> -> memref<1x4096xi32, #tpu.memory_space<hbm>>
      %dma_wait3A_253 = tpu.memref_squeeze %dma_wait3A_252 : memref<1x4096xi32, #tpu.memory_space<hbm>> -> memref<4096xi32, #tpu.memory_space<hbm>>
      %dma_wait3A_254 = arith.constant 4096 : i32
      %dma_wait3A_255 = tpu.memref_slice %arg5[%dma_wait3A_254] : memref<25600xi32, #tpu.memory_space<vmem>> -> memref<4096xi32, #tpu.memory_space<vmem>>
      %dma_wait3A_256 = arith.constant 0 : i32
      %dma_wait3A_257 = tpu.memref_slice %arg3[%add3A_38, %dma_wait3A_256] : memref<200x4096xi32, #tpu.memory_space<hbm>> -> memref<1x4096xi32, #tpu.memory_space<hbm>>
      %dma_wait3A_258 = tpu.memref_squeeze %dma_wait3A_257 : memref<1x4096xi32, #tpu.memory_space<hbm>> -> memref<4096xi32, #tpu.memory_space<hbm>>
      tpu.wait_dma2 semaphore(%run_scoped3A : memref<!tpu.dma_semaphore, #tpu.memory_space<semaphore_mem>>) src(%dma_wait3A_258 : memref<4096xi32, #tpu.memory_space<hbm>>) dst(%dma_wait3A_255 : memref<4096xi32, #tpu.memory_space<vmem>>)
      tpu.yield
    }) : () -> ()
    %add3A_39 = arith.constant 64 : i32
    %add3A_40 = arith.addi %add3A, %add3A_39 : i32
    "tpu.region"() ({
      %run_scoped3A = tpu.sem_alloc : memref<!tpu.dma_semaphore, #tpu.memory_space<semaphore_mem>>
      %dma_start3A_239 = arith.constant 8192 : i32
      %dma_start3A_240 = tpu.memref_slice %arg5[%dma_start3A_239] : memref<25600xi32, #tpu.memory_space<vmem>> -> memref<4096xi32, #tpu.memory_space<vmem>>
      %dma_start3A_241 = arith.constant 0 : i32
      %dma_start3A_242 = tpu.memref_slice %arg3[%add3A_40, %dma_start3A_241] : memref<200x4096xi32, #tpu.memory_space<hbm>> -> memref<1x4096xi32, #tpu.memory_space<hbm>>
      %dma_start3A_243 = tpu.memref_squeeze %dma_start3A_242 : memref<1x4096xi32, #tpu.memory_space<hbm>> -> memref<4096xi32, #tpu.memory_space<hbm>>
      %dma_start3A_244 = arith.constant 8192 : i32
      %dma_start3A_245 = tpu.memref_slice %arg5[%dma_start3A_244] : memref<25600xi32, #tpu.memory_space<vmem>> -> memref<4096xi32, #tpu.memory_space<vmem>>
      %dma_start3A_246 = arith.constant 0 : i32
      %dma_start3A_247 = tpu.memref_slice %arg3[%add3A_40, %dma_start3A_246] : memref<200x4096xi32, #tpu.memory_space<hbm>> -> memref<1x4096xi32, #tpu.memory_space<hbm>>
      %dma_start3A_248 = tpu.memref_squeeze %dma_start3A_247 : memref<1x4096xi32, #tpu.memory_space<hbm>> -> memref<4096xi32, #tpu.memory_space<hbm>>
      tpu.enqueue_dma source(%dma_start3A_248 : memref<4096xi32, #tpu.memory_space<hbm>>) target(%dma_start3A_245 : memref<4096xi32, #tpu.memory_space<vmem>>) target_semaphore(%run_scoped3A : memref<!tpu.dma_semaphore, #tpu.memory_space<semaphore_mem>>)
      %dma_wait3A_249 = arith.constant 8192 : i32
      %dma_wait3A_250 = tpu.memref_slice %arg5[%dma_wait3A_249] : memref<25600xi32, #tpu.memory_space<vmem>> -> memref<4096xi32, #tpu.memory_space<vmem>>
      %dma_wait3A_251 = arith.constant 0 : i32
      %dma_wait3A_252 = tpu.memref_slice %arg3[%add3A_40, %dma_wait3A_251] : memref<200x4096xi32, #tpu.memory_space<hbm>> -> memref<1x4096xi32, #tpu.memory_space<hbm>>
      %dma_wait3A_253 = tpu.memref_squeeze %dma_wait3A_252 : memref<1x4096xi32, #tpu.memory_space<hbm>> -> memref<4096xi32, #tpu.memory_space<hbm>>
      %dma_wait3A_254 = arith.constant 8192 : i32
      %dma_wait3A_255 = tpu.memref_slice %arg5[%dma_wait3A_254] : memref<25600xi32, #tpu.memory_space<vmem>> -> memref<4096xi32, #tpu.memory_space<vmem>>
      %dma_wait3A_256 = arith.constant 0 : i32
      %dma_wait3A_257 = tpu.memref_slice %arg3[%add3A_40, %dma_wait3A_256] : memref<200x4096xi32, #tpu.memory_space<hbm>> -> memref<1x4096xi32, #tpu.memory_space<hbm>>
      %dma_wait3A_258 = tpu.memref_squeeze %dma_wait3A_257 : memref<1x4096xi32, #tpu.memory_space<hbm>> -> memref<4096xi32, #tpu.memory_space<hbm>>
      tpu.wait_dma2 semaphore(%run_scoped3A : memref<!tpu.dma_semaphore, #tpu.memory_space<semaphore_mem>>) src(%dma_wait3A_258 : memref<4096xi32, #tpu.memory_space<hbm>>) dst(%dma_wait3A_255 : memref<4096xi32, #tpu.memory_space<vmem>>)
      tpu.yield
    }) : () -> ()
    %add3A_41 = arith.constant 96 : i32
    %add3A_42 = arith.addi %add3A, %add3A_41 : i32
    "tpu.region"() ({
      %run_scoped3A = tpu.sem_alloc : memref<!tpu.dma_semaphore, #tpu.memory_space<semaphore_mem>>
      %dma_start3A_239 = arith.constant 12288 : i32
      %dma_start3A_240 = tpu.memref_slice %arg5[%dma_start3A_239] : memref<25600xi32, #tpu.memory_space<vmem>> -> memref<4096xi32, #tpu.memory_space<vmem>>
      %dma_start3A_241 = arith.constant 0 : i32
      %dma_start3A_242 = tpu.memref_slice %arg3[%add3A_42, %dma_start3A_241] : memref<200x4096xi32, #tpu.memory_space<hbm>> -> memref<1x4096xi32, #tpu.memory_space<hbm>>
      %dma_start3A_243 = tpu.memref_squeeze %dma_start3A_242 : memref<1x4096xi32, #tpu.memory_space<hbm>> -> memref<4096xi32, #tpu.memory_space<hbm>>
      %dma_start3A_244 = arith.constant 12288 : i32
      %dma_start3A_245 = tpu.memref_slice %arg5[%dma_start3A_244] : memref<25600xi32, #tpu.memory_space<vmem>> -> memref<4096xi32, #tpu.memory_space<vmem>>
      %dma_start3A_246 = arith.constant 0 : i32
      %dma_start3A_247 = tpu.memref_slice %arg3[%add3A_42, %dma_start3A_246] : memref<200x4096xi32, #tpu.memory_space<hbm>> -> memref<1x4096xi32, #tpu.memory_space<hbm>>
      %dma_start3A_248 = tpu.memref_squeeze %dma_start3A_247 : memref<1x4096xi32, #tpu.memory_space<hbm>> -> memref<4096xi32, #tpu.memory_space<hbm>>
      tpu.enqueue_dma source(%dma_start3A_248 : memref<4096xi32, #tpu.memory_space<hbm>>) target(%dma_start3A_245 : memref<4096xi32, #tpu.memory_space<vmem>>) target_semaphore(%run_scoped3A : memref<!tpu.dma_semaphore, #tpu.memory_space<semaphore_mem>>)
      %dma_wait3A_249 = arith.constant 12288 : i32
      %dma_wait3A_250 = tpu.memref_slice %arg5[%dma_wait3A_249] : memref<25600xi32, #tpu.memory_space<vmem>> -> memref<4096xi32, #tpu.memory_space<vmem>>
      %dma_wait3A_251 = arith.constant 0 : i32
      %dma_wait3A_252 = tpu.memref_slice %arg3[%add3A_42, %dma_wait3A_251] : memref<200x4096xi32, #tpu.memory_space<hbm>> -> memref<1x4096xi32, #tpu.memory_space<hbm>>
      %dma_wait3A_253 = tpu.memref_squeeze %dma_wait3A_252 : memref<1x4096xi32, #tpu.memory_space<hbm>> -> memref<4096xi32, #tpu.memory_space<hbm>>
      %dma_wait3A_254 = arith.constant 12288 : i32
      %dma_wait3A_255 = tpu.memref_slice %arg5[%dma_wait3A_254] : memref<25600xi32, #tpu.memory_space<vmem>> -> memref<4096xi32, #tpu.memory_space<vmem>>
      %dma_wait3A_256 = arith.constant 0 : i32
      %dma_wait3A_257 = tpu.memref_slice %arg3[%add3A_42, %dma_wait3A_256] : memref<200x4096xi32, #tpu.memory_space<hbm>> -> memref<1x4096xi32, #tpu.memory_space<hbm>>
      %dma_wait3A_258 = tpu.memref_squeeze %dma_wait3A_257 : memref<1x4096xi32, #tpu.memory_space<hbm>> -> memref<4096xi32, #tpu.memory_space<hbm>>
      tpu.wait_dma2 semaphore(%run_scoped3A : memref<!tpu.dma_semaphore, #tpu.memory_space<semaphore_mem>>) src(%dma_wait3A_258 : memref<4096xi32, #tpu.memory_space<hbm>>) dst(%dma_wait3A_255 : memref<4096xi32, #tpu.memory_space<vmem>>)
      tpu.yield
    }) : () -> ()
    %add3A_43 = arith.constant 128 : i32
    %add3A_44 = arith.addi %add3A, %add3A_43 : i32
    "tpu.region"() ({
      %run_scoped3A = tpu.sem_alloc : memref<!tpu.dma_semaphore, #tpu.memory_space<semaphore_mem>>
      %dma_start3A_239 = arith.constant 16384 : i32
      %dma_start3A_240 = tpu.memref_slice %arg5[%dma_start3A_239] : memref<25600xi32, #tpu.memory_space<vmem>> -> memref<4096xi32, #tpu.memory_space<vmem>>
      %dma_start3A_241 = arith.constant 0 : i32
      %dma_start3A_242 = tpu.memref_slice %arg3[%add3A_44, %dma_start3A_241] : memref<200x4096xi32, #tpu.memory_space<hbm>> -> memref<1x4096xi32, #tpu.memory_space<hbm>>
      %dma_start3A_243 = tpu.memref_squeeze %dma_start3A_242 : memref<1x4096xi32, #tpu.memory_space<hbm>> -> memref<4096xi32, #tpu.memory_space<hbm>>
      %dma_start3A_244 = arith.constant 16384 : i32
      %dma_start3A_245 = tpu.memref_slice %arg5[%dma_start3A_244] : memref<25600xi32, #tpu.memory_space<vmem>> -> memref<4096xi32, #tpu.memory_space<vmem>>
      %dma_start3A_246 = arith.constant 0 : i32
      %dma_start3A_247 = tpu.memref_slice %arg3[%add3A_44, %dma_start3A_246] : memref<200x4096xi32, #tpu.memory_space<hbm>> -> memref<1x4096xi32, #tpu.memory_space<hbm>>
      %dma_start3A_248 = tpu.memref_squeeze %dma_start3A_247 : memref<1x4096xi32, #tpu.memory_space<hbm>> -> memref<4096xi32, #tpu.memory_space<hbm>>
      tpu.enqueue_dma source(%dma_start3A_248 : memref<4096xi32, #tpu.memory_space<hbm>>) target(%dma_start3A_245 : memref<4096xi32, #tpu.memory_space<vmem>>) target_semaphore(%run_scoped3A : memref<!tpu.dma_semaphore, #tpu.memory_space<semaphore_mem>>)
      %dma_wait3A_249 = arith.constant 16384 : i32
      %dma_wait3A_250 = tpu.memref_slice %arg5[%dma_wait3A_249] : memref<25600xi32, #tpu.memory_space<vmem>> -> memref<4096xi32, #tpu.memory_space<vmem>>
      %dma_wait3A_251 = arith.constant 0 : i32
      %dma_wait3A_252 = tpu.memref_slice %arg3[%add3A_44, %dma_wait3A_251] : memref<200x4096xi32, #tpu.memory_space<hbm>> -> memref<1x4096xi32, #tpu.memory_space<hbm>>
      %dma_wait3A_253 = tpu.memref_squeeze %dma_wait3A_252 : memref<1x4096xi32, #tpu.memory_space<hbm>> -> memref<4096xi32, #tpu.memory_space<hbm>>
      %dma_wait3A_254 = arith.constant 16384 : i32
      %dma_wait3A_255 = tpu.memref_slice %arg5[%dma_wait3A_254] : memref<25600xi32, #tpu.memory_space<vmem>> -> memref<4096xi32, #tpu.memory_space<vmem>>
      %dma_wait3A_256 = arith.constant 0 : i32
      %dma_wait3A_257 = tpu.memref_slice %arg3[%add3A_44, %dma_wait3A_256] : memref<200x4096xi32, #tpu.memory_space<hbm>> -> memref<1x4096xi32, #tpu.memory_space<hbm>>
      %dma_wait3A_258 = tpu.memref_squeeze %dma_wait3A_257 : memref<1x4096xi32, #tpu.memory_space<hbm>> -> memref<4096xi32, #tpu.memory_space<hbm>>
      tpu.wait_dma2 semaphore(%run_scoped3A : memref<!tpu.dma_semaphore, #tpu.memory_space<semaphore_mem>>) src(%dma_wait3A_258 : memref<4096xi32, #tpu.memory_space<hbm>>) dst(%dma_wait3A_255 : memref<4096xi32, #tpu.memory_space<vmem>>)
      tpu.yield
    }) : () -> ()
    %add3A_45 = arith.constant 160 : i32
    %add3A_46 = arith.addi %add3A, %add3A_45 : i32
    "tpu.region"() ({
      %run_scoped3A = tpu.sem_alloc : memref<!tpu.dma_semaphore, #tpu.memory_space<semaphore_mem>>
      %dma_start3A_239 = arith.constant 20480 : i32
      %dma_start3A_240 = tpu.memref_slice %arg5[%dma_start3A_239] : memref<25600xi32, #tpu.memory_space<vmem>> -> memref<4096xi32, #tpu.memory_space<vmem>>
      %dma_start3A_241 = arith.constant 0 : i32
      %dma_start3A_242 = tpu.memref_slice %arg3[%add3A_46, %dma_start3A_241] : memref<200x4096xi32, #tpu.memory_space<hbm>> -> memref<1x4096xi32, #tpu.memory_space<hbm>>
      %dma_start3A_243 = tpu.memref_squeeze %dma_start3A_242 : memref<1x4096xi32, #tpu.memory_space<hbm>> -> memref<4096xi32, #tpu.memory_space<hbm>>
      %dma_start3A_244 = arith.constant 20480 : i32
      %dma_start3A_245 = tpu.memref_slice %arg5[%dma_start3A_244] : memref<25600xi32, #tpu.memory_space<vmem>> -> memref<4096xi32, #tpu.memory_space<vmem>>
      %dma_start3A_246 = arith.constant 0 : i32
      %dma_start3A_247 = tpu.memref_slice %arg3[%add3A_46, %dma_start3A_246] : memref<200x4096xi32, #tpu.memory_space<hbm>> -> memref<1x4096xi32, #tpu.memory_space<hbm>>
      %dma_start3A_248 = tpu.memref_squeeze %dma_start3A_247 : memref<1x4096xi32, #tpu.memory_space<hbm>> -> memref<4096xi32, #tpu.memory_space<hbm>>
      tpu.enqueue_dma source(%dma_start3A_248 : memref<4096xi32, #tpu.memory_space<hbm>>) target(%dma_start3A_245 : memref<4096xi32, #tpu.memory_space<vmem>>) target_semaphore(%run_scoped3A : memref<!tpu.dma_semaphore, #tpu.memory_space<semaphore_mem>>)
      %dma_wait3A_249 = arith.constant 20480 : i32
      %dma_wait3A_250 = tpu.memref_slice %arg5[%dma_wait3A_249] : memref<25600xi32, #tpu.memory_space<vmem>> -> memref<4096xi32, #tpu.memory_space<vmem>>
      %dma_wait3A_251 = arith.constant 0 : i32
      %dma_wait3A_252 = tpu.memref_slice %arg3[%add3A_46, %dma_wait3A_251] : memref<200x4096xi32, #tpu.memory_space<hbm>> -> memref<1x4096xi32, #tpu.memory_space<hbm>>
      %dma_wait3A_253 = tpu.memref_squeeze %dma_wait3A_252 : memref<1x4096xi32, #tpu.memory_space<hbm>> -> memref<4096xi32, #tpu.memory_space<hbm>>
      %dma_wait3A_254 = arith.constant 20480 : i32
      %dma_wait3A_255 = tpu.memref_slice %arg5[%dma_wait3A_254] : memref<25600xi32, #tpu.memory_space<vmem>> -> memref<4096xi32, #tpu.memory_space<vmem>>
      %dma_wait3A_256 = arith.constant 0 : i32
      %dma_wait3A_257 = tpu.memref_slice %arg3[%add3A_46, %dma_wait3A_256] : memref<200x4096xi32, #tpu.memory_space<hbm>> -> memref<1x4096xi32, #tpu.memory_space<hbm>>
      %dma_wait3A_258 = tpu.memref_squeeze %dma_wait3A_257 : memref<1x4096xi32, #tpu.memory_space<hbm>> -> memref<4096xi32, #tpu.memory_space<hbm>>
      tpu.wait_dma2 semaphore(%run_scoped3A : memref<!tpu.dma_semaphore, #tpu.memory_space<semaphore_mem>>) src(%dma_wait3A_258 : memref<4096xi32, #tpu.memory_space<hbm>>) dst(%dma_wait3A_255 : memref<4096xi32, #tpu.memory_space<vmem>>)
      tpu.yield
    }) : () -> ()
    "tpu.region"() ({
      %run_scoped3A = tpu.sem_alloc : memref<!tpu.dma_semaphore, #tpu.memory_space<semaphore_mem>>
      %dma_start3A_239 = arith.constant 24576 : i32
      %dma_start3A_240 = tpu.memref_slice %arg5[%dma_start3A_239] : memref<25600xi32, #tpu.memory_space<vmem>> -> memref<1024xi32, #tpu.memory_space<vmem>>
      %dma_start3A_241 = tpu.memref_slice %arg3[%add3A_18, %mul3A_34] : memref<200x4096xi32, #tpu.memory_space<hbm>> -> memref<1x1024xi32, #tpu.memory_space<hbm>>
      %dma_start3A_242 = tpu.memref_squeeze %dma_start3A_241 : memref<1x1024xi32, #tpu.memory_space<hbm>> -> memref<1024xi32, #tpu.memory_space<hbm>>
      %dma_start3A_243 = arith.constant 24576 : i32
      %dma_start3A_244 = tpu.memref_slice %arg5[%dma_start3A_243] : memref<25600xi32, #tpu.memory_space<vmem>> -> memref<1024xi32, #tpu.memory_space<vmem>>
      %dma_start3A_245 = tpu.memref_slice %arg3[%add3A_18, %mul3A_34] : memref<200x4096xi32, #tpu.memory_space<hbm>> -> memref<1x1024xi32, #tpu.memory_space<hbm>>
      %dma_start3A_246 = tpu.memref_squeeze %dma_start3A_245 : memref<1x1024xi32, #tpu.memory_space<hbm>> -> memref<1024xi32, #tpu.memory_space<hbm>>
      tpu.enqueue_dma source(%dma_start3A_246 : memref<1024xi32, #tpu.memory_space<hbm>>) target(%dma_start3A_244 : memref<1024xi32, #tpu.memory_space<vmem>>) target_semaphore(%run_scoped3A : memref<!tpu.dma_semaphore, #tpu.memory_space<semaphore_mem>>)
      %dma_wait3A_247 = arith.constant 24576 : i32
      %dma_wait3A_248 = tpu.memref_slice %arg5[%dma_wait3A_247] : memref<25600xi32, #tpu.memory_space<vmem>> -> memref<1024xi32, #tpu.memory_space<vmem>>
      %dma_wait3A_249 = tpu.memref_slice %arg3[%add3A_18, %mul3A_34] : memref<200x4096xi32, #tpu.memory_space<hbm>> -> memref<1x1024xi32, #tpu.memory_space<hbm>>
      %dma_wait3A_250 = tpu.memref_squeeze %dma_wait3A_249 : memref<1x1024xi32, #tpu.memory_space<hbm>> -> memref<1024xi32, #tpu.memory_space<hbm>>
      %dma_wait3A_251 = arith.constant 24576 : i32
      %dma_wait3A_252 = tpu.memref_slice %arg5[%dma_wait3A_251] : memref<25600xi32, #tpu.memory_space<vmem>> -> memref<1024xi32, #tpu.memory_space<vmem>>
      %dma_wait3A_253 = tpu.memref_slice %arg3[%add3A_18, %mul3A_34] : memref<200x4096xi32, #tpu.memory_space<hbm>> -> memref<1x1024xi32, #tpu.memory_space<hbm>>
      %dma_wait3A_254 = tpu.memref_squeeze %dma_wait3A_253 : memref<1x1024xi32, #tpu.memory_space<hbm>> -> memref<1024xi32, #tpu.memory_space<hbm>>
      tpu.wait_dma2 semaphore(%run_scoped3A : memref<!tpu.dma_semaphore, #tpu.memory_space<semaphore_mem>>) src(%dma_wait3A_254 : memref<1024xi32, #tpu.memory_space<hbm>>) dst(%dma_wait3A_252 : memref<1024xi32, #tpu.memory_space<vmem>>)
      tpu.yield
    }) : () -> ()
    %eq3A_47 = arith.constant 0 : i32
    %eq3A_48 = arith.cmpi eq, %arg1, %eq3A_47 : i32
    %convert_element_type3A = arith.extui %eq3A_48 : i1 to i32
    %cond3A = arith.constant 0 : i32
    %cond3A_49 = arith.cmpi ne, %convert_element_type3A, %cond3A : i32
    scf.if %cond3A_49 {
      %dma_start3A_239 = arith.constant 0 : i32
      %dma_start3A_240 = arith.constant 0 : i32
      %dma_start3A_241 = tpu.memref_slice %arg2[%dma_start3A_239, %dma_start3A_240] : memref<64x1000000xf32, #tpu.memory_space<hbm>> -> memref<1x1000000xf32, #tpu.memory_space<hbm>>
      %dma_start3A_242 = tpu.memref_squeeze %dma_start3A_241 : memref<1x1000000xf32, #tpu.memory_space<hbm>> -> memref<1000000xf32, #tpu.memory_space<hbm>>
      tpu.enqueue_dma source(%dma_start3A_242 : memref<1000000xf32, #tpu.memory_space<hbm>>) target(%arg7 : memref<1000000xf32, #tpu.memory_space<vmem_shared>>) target_semaphore(%arg8 : memref<!tpu.dma_semaphore, #tpu.memory_space<semaphore_mem>>)
    } else {
    }
    %eq3A_50 = arith.constant 0 : i32
    %eq3A_51 = arith.cmpi eq, %arg1, %eq3A_50 : i32
    %convert_element_type3A_52 = arith.extui %eq3A_51 : i1 to i32
    %cond3A_53 = arith.constant 0 : i32
    %cond3A_54 = arith.cmpi ne, %convert_element_type3A_52, %cond3A_53 : i32
    scf.if %cond3A_54 {
      %dma_wait3A_239 = arith.constant 0 : i32
      %dma_wait3A_240 = arith.constant 0 : i32
      %dma_wait3A_241 = tpu.memref_slice %arg2[%dma_wait3A_239, %dma_wait3A_240] : memref<64x1000000xf32, #tpu.memory_space<hbm>> -> memref<1x1000000xf32, #tpu.memory_space<hbm>>
      %dma_wait3A_242 = tpu.memref_squeeze %dma_wait3A_241 : memref<1x1000000xf32, #tpu.memory_space<hbm>> -> memref<1000000xf32, #tpu.memory_space<hbm>>
      tpu.wait_dma2 semaphore(%arg8 : memref<!tpu.dma_semaphore, #tpu.memory_space<semaphore_mem>>) src(%dma_wait3A_242 : memref<1000000xf32, #tpu.memory_space<hbm>>) dst(%arg7 : memref<1000000xf32, #tpu.memory_space<vmem_shared>>)
    } else {
    }
    %barrier3A = arith.constant 0 : index
    tpu.barrier barrier_id(%barrier3A)
    "tpu.region"() ({
      %run_scoped3A = tpu.sem_alloc : memref<!tpu.dma_semaphore, #tpu.memory_space<semaphore_mem>>
      %dma_start3A_239 = arith.constant 0 : i32
      %dma_start3A_240 = tpu.memref_slice %arg7[%dma_start3A_239] : memref<1000000xf32, #tpu.memory_space<vmem_shared>> -> memref<1000000xf32, #tpu.memory_space<vmem_shared>>
      tpu.enqueue_indirect_dma source(%dma_start3A_240 : memref<1000000xf32, #tpu.memory_space<vmem_shared>>) target(%arg6 : memref<25600xf32, #tpu.memory_space<vmem>>) offsets(%arg5 : memref<25600xi32, #tpu.memory_space<vmem>>) semaphore(%run_scoped3A : memref<!tpu.dma_semaphore, #tpu.memory_space<semaphore_mem>>)
      %dma_wait3A_241 = arith.constant 0 : i32
      %dma_wait3A_242 = tpu.memref_slice %arg7[%dma_wait3A_241] : memref<1000000xf32, #tpu.memory_space<vmem_shared>> -> memref<1000000xf32, #tpu.memory_space<vmem_shared>>
      tpu.wait_indirect_dma semaphore(%run_scoped3A : memref<!tpu.dma_semaphore, #tpu.memory_space<semaphore_mem>>) src(%dma_wait3A_242 : memref<1000000xf32, #tpu.memory_space<vmem_shared>>) dst(%arg6 : memref<25600xf32, #tpu.memory_space<vmem>>)
      tpu.yield
    }) : () -> ()
    %barrier3A_55 = arith.constant 0 : index
    tpu.barrier barrier_id(%barrier3A_55)
    %eq3A_56 = arith.constant 0 : i32
    %eq3A_57 = arith.cmpi eq, %arg1, %eq3A_56 : i32
    %and3A_58 = arith.constant true
    %and3A_59 = arith.andi %eq3A_57, %and3A_58 : i1
    %convert_element_type3A_60 = arith.extui %and3A_59 : i1 to i32
    %cond3A_61 = arith.constant 0 : i32
    %cond3A_62 = arith.cmpi ne, %convert_element_type3A_60, %cond3A_61 : i32
    scf.if %cond3A_62 {
      %dma_start3A_239 = arith.constant 1 : i32
      %dma_start3A_240 = arith.constant 0 : i32
      %dma_start3A_241 = tpu.memref_slice %arg2[%dma_start3A_239, %dma_start3A_240] : memref<64x1000000xf32, #tpu.memory_space<hbm>> -> memref<1x1000000xf32, #tpu.memory_space<hbm>>
      %dma_start3A_242 = tpu.memref_squeeze %dma_start3A_241 : memref<1x1000000xf32, #tpu.memory_space<hbm>> -> memref<1000000xf32, #tpu.memory_space<hbm>>
      tpu.enqueue_dma source(%dma_start3A_242 : memref<1000000xf32, #tpu.memory_space<hbm>>) target(%arg7 : memref<1000000xf32, #tpu.memory_space<vmem_shared>>) target_semaphore(%arg8 : memref<!tpu.dma_semaphore, #tpu.memory_space<semaphore_mem>>)
    } else {
    }
    %add3A_63 = arith.constant 0 : i32
    %add3A_64 = arith.addi %add3A, %add3A_63 : i32
    %dma_start3A = arith.constant 0 : i32
    %dma_start3A_65 = arith.constant 0 : i32
    %dma_start3A_66 = tpu.memref_slice %arg6[%dma_start3A_65] : memref<25600xf32, #tpu.memory_space<vmem>> -> memref<4096xf32, #tpu.memory_space<vmem>>
    %dma_start3A_67 = arith.constant 0 : i32
    %dma_start3A_68 = tpu.memref_slice %arg4[%add3A_64, %dma_start3A, %dma_start3A_67] : memref<200x64x4096xf32, #tpu.memory_space<hbm>> -> memref<1x1x4096xf32, #tpu.memory_space<hbm>>
    %dma_start3A_69 = tpu.memref_squeeze %dma_start3A_68 : memref<1x1x4096xf32, #tpu.memory_space<hbm>> -> memref<4096xf32, #tpu.memory_space<hbm>>
    %dma_start3A_70 = arith.constant 0 : i32
    %dma_start3A_71 = tpu.memref_slice %arg4[%add3A_64, %dma_start3A, %dma_start3A_70] : memref<200x64x4096xf32, #tpu.memory_space<hbm>> -> memref<1x1x4096xf32, #tpu.memory_space<hbm>>
    %dma_start3A_72 = tpu.memref_squeeze %dma_start3A_71 : memref<1x1x4096xf32, #tpu.memory_space<hbm>> -> memref<4096xf32, #tpu.memory_space<hbm>>
    %dma_start3A_73 = arith.constant 0 : i32
    %dma_start3A_74 = tpu.memref_slice %arg6[%dma_start3A_73] : memref<25600xf32, #tpu.memory_space<vmem>> -> memref<4096xf32, #tpu.memory_space<vmem>>
    tpu.enqueue_dma source(%dma_start3A_74 : memref<4096xf32, #tpu.memory_space<vmem>>) target(%dma_start3A_72 : memref<4096xf32, #tpu.memory_space<hbm>>) target_semaphore(%arg9 : memref<!tpu.dma_semaphore, #tpu.memory_space<semaphore_mem>>)
    %add3A_75 = arith.constant 32 : i32
    %add3A_76 = arith.addi %add3A, %add3A_75 : i32
    %dma_start3A_77 = arith.constant 0 : i32
    %dma_start3A_78 = arith.constant 4096 : i32
    %dma_start3A_79 = tpu.memref_slice %arg6[%dma_start3A_78] : memref<25600xf32, #tpu.memory_space<vmem>> -> memref<4096xf32, #tpu.memory_space<vmem>>
    %dma_start3A_80 = arith.constant 0 : i32
    %dma_start3A_81 = tpu.memref_slice %arg4[%add3A_76, %dma_start3A_77, %dma_start3A_80] : memref<200x64x4096xf32, #tpu.memory_space<hbm>> -> memref<1x1x4096xf32, #tpu.memory_space<hbm>>
    %dma_start3A_82 = tpu.memref_squeeze %dma_start3A_81 : memref<1x1x4096xf32, #tpu.memory_space<hbm>> -> memref<4096xf32, #tpu.memory_space<hbm>>
    %dma_start3A_83 = arith.constant 0 : i32
    %dma_start3A_84 = tpu.memref_slice %arg4[%add3A_76, %dma_start3A_77, %dma_start3A_83] : memref<200x64x4096xf32, #tpu.memory_space<hbm>> -> memref<1x1x4096xf32, #tpu.memory_space<hbm>>
    %dma_start3A_85 = tpu.memref_squeeze %dma_start3A_84 : memref<1x1x4096xf32, #tpu.memory_space<hbm>> -> memref<4096xf32, #tpu.memory_space<hbm>>
    %dma_start3A_86 = arith.constant 4096 : i32
    %dma_start3A_87 = tpu.memref_slice %arg6[%dma_start3A_86] : memref<25600xf32, #tpu.memory_space<vmem>> -> memref<4096xf32, #tpu.memory_space<vmem>>
    tpu.enqueue_dma source(%dma_start3A_87 : memref<4096xf32, #tpu.memory_space<vmem>>) target(%dma_start3A_85 : memref<4096xf32, #tpu.memory_space<hbm>>) target_semaphore(%arg9 : memref<!tpu.dma_semaphore, #tpu.memory_space<semaphore_mem>>)
    %add3A_88 = arith.constant 64 : i32
    %add3A_89 = arith.addi %add3A, %add3A_88 : i32
    %dma_start3A_90 = arith.constant 0 : i32
    %dma_start3A_91 = arith.constant 8192 : i32
    %dma_start3A_92 = tpu.memref_slice %arg6[%dma_start3A_91] : memref<25600xf32, #tpu.memory_space<vmem>> -> memref<4096xf32, #tpu.memory_space<vmem>>
    %dma_start3A_93 = arith.constant 0 : i32
    %dma_start3A_94 = tpu.memref_slice %arg4[%add3A_89, %dma_start3A_90, %dma_start3A_93] : memref<200x64x4096xf32, #tpu.memory_space<hbm>> -> memref<1x1x4096xf32, #tpu.memory_space<hbm>>
    %dma_start3A_95 = tpu.memref_squeeze %dma_start3A_94 : memref<1x1x4096xf32, #tpu.memory_space<hbm>> -> memref<4096xf32, #tpu.memory_space<hbm>>
    %dma_start3A_96 = arith.constant 0 : i32
    %dma_start3A_97 = tpu.memref_slice %arg4[%add3A_89, %dma_start3A_90, %dma_start3A_96] : memref<200x64x4096xf32, #tpu.memory_space<hbm>> -> memref<1x1x4096xf32, #tpu.memory_space<hbm>>
    %dma_start3A_98 = tpu.memref_squeeze %dma_start3A_97 : memref<1x1x4096xf32, #tpu.memory_space<hbm>> -> memref<4096xf32, #tpu.memory_space<hbm>>
    %dma_start3A_99 = arith.constant 8192 : i32
    %dma_start3A_100 = tpu.memref_slice %arg6[%dma_start3A_99] : memref<25600xf32, #tpu.memory_space<vmem>> -> memref<4096xf32, #tpu.memory_space<vmem>>
    tpu.enqueue_dma source(%dma_start3A_100 : memref<4096xf32, #tpu.memory_space<vmem>>) target(%dma_start3A_98 : memref<4096xf32, #tpu.memory_space<hbm>>) target_semaphore(%arg9 : memref<!tpu.dma_semaphore, #tpu.memory_space<semaphore_mem>>)
    %add3A_101 = arith.constant 96 : i32
    %add3A_102 = arith.addi %add3A, %add3A_101 : i32
    %dma_start3A_103 = arith.constant 0 : i32
    %dma_start3A_104 = arith.constant 12288 : i32
    %dma_start3A_105 = tpu.memref_slice %arg6[%dma_start3A_104] : memref<25600xf32, #tpu.memory_space<vmem>> -> memref<4096xf32, #tpu.memory_space<vmem>>
    %dma_start3A_106 = arith.constant 0 : i32
    %dma_start3A_107 = tpu.memref_slice %arg4[%add3A_102, %dma_start3A_103, %dma_start3A_106] : memref<200x64x4096xf32, #tpu.memory_space<hbm>> -> memref<1x1x4096xf32, #tpu.memory_space<hbm>>
    %dma_start3A_108 = tpu.memref_squeeze %dma_start3A_107 : memref<1x1x4096xf32, #tpu.memory_space<hbm>> -> memref<4096xf32, #tpu.memory_space<hbm>>
    %dma_start3A_109 = arith.constant 0 : i32
    %dma_start3A_110 = tpu.memref_slice %arg4[%add3A_102, %dma_start3A_103, %dma_start3A_109] : memref<200x64x4096xf32, #tpu.memory_space<hbm>> -> memref<1x1x4096xf32, #tpu.memory_space<hbm>>
    %dma_start3A_111 = tpu.memref_squeeze %dma_start3A_110 : memref<1x1x4096xf32, #tpu.memory_space<hbm>> -> memref<4096xf32, #tpu.memory_space<hbm>>
    %dma_start3A_112 = arith.constant 12288 : i32
    %dma_start3A_113 = tpu.memref_slice %arg6[%dma_start3A_112] : memref<25600xf32, #tpu.memory_space<vmem>> -> memref<4096xf32, #tpu.memory_space<vmem>>
    tpu.enqueue_dma source(%dma_start3A_113 : memref<4096xf32, #tpu.memory_space<vmem>>) target(%dma_start3A_111 : memref<4096xf32, #tpu.memory_space<hbm>>) target_semaphore(%arg9 : memref<!tpu.dma_semaphore, #tpu.memory_space<semaphore_mem>>)
    %add3A_114 = arith.constant 128 : i32
    %add3A_115 = arith.addi %add3A, %add3A_114 : i32
    %dma_start3A_116 = arith.constant 0 : i32
    %dma_start3A_117 = arith.constant 16384 : i32
    %dma_start3A_118 = tpu.memref_slice %arg6[%dma_start3A_117] : memref<25600xf32, #tpu.memory_space<vmem>> -> memref<4096xf32, #tpu.memory_space<vmem>>
    %dma_start3A_119 = arith.constant 0 : i32
    %dma_start3A_120 = tpu.memref_slice %arg4[%add3A_115, %dma_start3A_116, %dma_start3A_119] : memref<200x64x4096xf32, #tpu.memory_space<hbm>> -> memref<1x1x4096xf32, #tpu.memory_space<hbm>>
    %dma_start3A_121 = tpu.memref_squeeze %dma_start3A_120 : memref<1x1x4096xf32, #tpu.memory_space<hbm>> -> memref<4096xf32, #tpu.memory_space<hbm>>
    %dma_start3A_122 = arith.constant 0 : i32
    %dma_start3A_123 = tpu.memref_slice %arg4[%add3A_115, %dma_start3A_116, %dma_start3A_122] : memref<200x64x4096xf32, #tpu.memory_space<hbm>> -> memref<1x1x4096xf32, #tpu.memory_space<hbm>>
    %dma_start3A_124 = tpu.memref_squeeze %dma_start3A_123 : memref<1x1x4096xf32, #tpu.memory_space<hbm>> -> memref<4096xf32, #tpu.memory_space<hbm>>
    %dma_start3A_125 = arith.constant 16384 : i32
    %dma_start3A_126 = tpu.memref_slice %arg6[%dma_start3A_125] : memref<25600xf32, #tpu.memory_space<vmem>> -> memref<4096xf32, #tpu.memory_space<vmem>>
    tpu.enqueue_dma source(%dma_start3A_126 : memref<4096xf32, #tpu.memory_space<vmem>>) target(%dma_start3A_124 : memref<4096xf32, #tpu.memory_space<hbm>>) target_semaphore(%arg9 : memref<!tpu.dma_semaphore, #tpu.memory_space<semaphore_mem>>)
    %add3A_127 = arith.constant 160 : i32
    %add3A_128 = arith.addi %add3A, %add3A_127 : i32
    %dma_start3A_129 = arith.constant 0 : i32
    %dma_start3A_130 = arith.constant 20480 : i32
    %dma_start3A_131 = tpu.memref_slice %arg6[%dma_start3A_130] : memref<25600xf32, #tpu.memory_space<vmem>> -> memref<4096xf32, #tpu.memory_space<vmem>>
    %dma_start3A_132 = arith.constant 0 : i32
    %dma_start3A_133 = tpu.memref_slice %arg4[%add3A_128, %dma_start3A_129, %dma_start3A_132] : memref<200x64x4096xf32, #tpu.memory_space<hbm>> -> memref<1x1x4096xf32, #tpu.memory_space<hbm>>
    %dma_start3A_134 = tpu.memref_squeeze %dma_start3A_133 : memref<1x1x4096xf32, #tpu.memory_space<hbm>> -> memref<4096xf32, #tpu.memory_space<hbm>>
    %dma_start3A_135 = arith.constant 0 : i32
    %dma_start3A_136 = tpu.memref_slice %arg4[%add3A_128, %dma_start3A_129, %dma_start3A_135] : memref<200x64x4096xf32, #tpu.memory_space<hbm>> -> memref<1x1x4096xf32, #tpu.memory_space<hbm>>
    %dma_start3A_137 = tpu.memref_squeeze %dma_start3A_136 : memref<1x1x4096xf32, #tpu.memory_space<hbm>> -> memref<4096xf32, #tpu.memory_space<hbm>>
    %dma_start3A_138 = arith.constant 20480 : i32
    %dma_start3A_139 = tpu.memref_slice %arg6[%dma_start3A_138] : memref<25600xf32, #tpu.memory_space<vmem>> -> memref<4096xf32, #tpu.memory_space<vmem>>
    tpu.enqueue_dma source(%dma_start3A_139 : memref<4096xf32, #tpu.memory_space<vmem>>) target(%dma_start3A_137 : memref<4096xf32, #tpu.memory_space<hbm>>) target_semaphore(%arg9 : memref<!tpu.dma_semaphore, #tpu.memory_space<semaphore_mem>>)
    %dma_start3A_140 = arith.constant 0 : i32
    %dma_start3A_141 = arith.constant 24576 : i32
    %dma_start3A_142 = tpu.memref_slice %arg6[%dma_start3A_141] : memref<25600xf32, #tpu.memory_space<vmem>> -> memref<1024xf32, #tpu.memory_space<vmem>>
    %dma_start3A_143 = tpu.memref_slice %arg4[%add3A_18, %dma_start3A_140, %mul3A_34] : memref<200x64x4096xf32, #tpu.memory_space<hbm>> -> memref<1x1x1024xf32, #tpu.memory_space<hbm>>
    %dma_start3A_144 = tpu.memref_squeeze %dma_start3A_143 : memref<1x1x1024xf32, #tpu.memory_space<hbm>> -> memref<1024xf32, #tpu.memory_space<hbm>>
    %dma_start3A_145 = tpu.memref_slice %arg4[%add3A_18, %dma_start3A_140, %mul3A_34] : memref<200x64x4096xf32, #tpu.memory_space<hbm>> -> memref<1x1x1024xf32, #tpu.memory_space<hbm>>
    %dma_start3A_146 = tpu.memref_squeeze %dma_start3A_145 : memref<1x1x1024xf32, #tpu.memory_space<hbm>> -> memref<1024xf32, #tpu.memory_space<hbm>>
    %dma_start3A_147 = arith.constant 24576 : i32
    %dma_start3A_148 = tpu.memref_slice %arg6[%dma_start3A_147] : memref<25600xf32, #tpu.memory_space<vmem>> -> memref<1024xf32, #tpu.memory_space<vmem>>
    tpu.enqueue_dma source(%dma_start3A_148 : memref<1024xf32, #tpu.memory_space<vmem>>) target(%dma_start3A_146 : memref<1024xf32, #tpu.memory_space<hbm>>) target_semaphore(%arg9 : memref<!tpu.dma_semaphore, #tpu.memory_space<semaphore_mem>>)
    %scan3A = arith.constant 0 : i32
    %scan3A_149 = arith.constant 63 : i32
    %scan3A_150 = arith.addi %scan3A, %scan3A_149 : i32
    %scan3A_151 = arith.constant 1 : i32
    scf.for %scan3A_239 = %scan3A to %scan3A_150 step %scan3A_151  : i32 {
      %mul3A_240 = arith.constant 1 : i32
      %mul3A_241 = arith.muli %scan3A_239, %mul3A_240 : i32
      %add3A_242 = arith.constant 1 : i32
      %add3A_243 = arith.addi %add3A_242, %mul3A_241 : i32
      %eq3A_244 = arith.constant 0 : i32
      %eq3A_245 = arith.cmpi eq, %arg1, %eq3A_244 : i32
      %convert_element_type3A_246 = arith.extui %eq3A_245 : i1 to i32
      %cond3A_247 = arith.constant 0 : i32
      %cond3A_248 = arith.cmpi ne, %convert_element_type3A_246, %cond3A_247 : i32
      scf.if %cond3A_248 {
        %dma_wait3A_423 = arith.constant 0 : i32
        %dma_wait3A_424 = tpu.memref_slice %arg2[%add3A_243, %dma_wait3A_423] : memref<64x1000000xf32, #tpu.memory_space<hbm>> -> memref<1x1000000xf32, #tpu.memory_space<hbm>>
        %dma_wait3A_425 = tpu.memref_squeeze %dma_wait3A_424 : memref<1x1000000xf32, #tpu.memory_space<hbm>> -> memref<1000000xf32, #tpu.memory_space<hbm>>
        tpu.wait_dma2 semaphore(%arg8 : memref<!tpu.dma_semaphore, #tpu.memory_space<semaphore_mem>>) src(%dma_wait3A_425 : memref<1000000xf32, #tpu.memory_space<hbm>>) dst(%arg7 : memref<1000000xf32, #tpu.memory_space<vmem_shared>>)
      } else {
      }
      %barrier3A_249 = arith.constant 0 : index
      tpu.barrier barrier_id(%barrier3A_249)
      %sub3A_250 = arith.constant 1 : i32
      %sub3A_251 = arith.subi %add3A_243, %sub3A_250 : i32
      %add3A_252 = arith.constant 0 : i32
      %add3A_253 = arith.addi %add3A, %add3A_252 : i32
      %dma_wait3A_254 = arith.constant 0 : i32
      %dma_wait3A_255 = tpu.memref_slice %arg6[%dma_wait3A_254] : memref<25600xf32, #tpu.memory_space<vmem>> -> memref<4096xf32, #tpu.memory_space<vmem>>
      %dma_wait3A_256 = arith.constant 0 : i32
      %dma_wait3A_257 = tpu.memref_slice %arg4[%add3A_253, %sub3A_251, %dma_wait3A_256] : memref<200x64x4096xf32, #tpu.memory_space<hbm>> -> memref<1x1x4096xf32, #tpu.memory_space<hbm>>
      %dma_wait3A_258 = tpu.memref_squeeze %dma_wait3A_257 : memref<1x1x4096xf32, #tpu.memory_space<hbm>> -> memref<4096xf32, #tpu.memory_space<hbm>>
      %dma_wait3A_259 = arith.constant 0 : i32
      %dma_wait3A_260 = tpu.memref_slice %arg4[%add3A_253, %sub3A_251, %dma_wait3A_259] : memref<200x64x4096xf32, #tpu.memory_space<hbm>> -> memref<1x1x4096xf32, #tpu.memory_space<hbm>>
      %dma_wait3A_261 = tpu.memref_squeeze %dma_wait3A_260 : memref<1x1x4096xf32, #tpu.memory_space<hbm>> -> memref<4096xf32, #tpu.memory_space<hbm>>
      %dma_wait3A_262 = arith.constant 0 : i32
      %dma_wait3A_263 = tpu.memref_slice %arg6[%dma_wait3A_262] : memref<25600xf32, #tpu.memory_space<vmem>> -> memref<4096xf32, #tpu.memory_space<vmem>>
      tpu.wait_dma2 semaphore(%arg9 : memref<!tpu.dma_semaphore, #tpu.memory_space<semaphore_mem>>) src(%dma_wait3A_263 : memref<4096xf32, #tpu.memory_space<vmem>>) dst(%dma_wait3A_261 : memref<4096xf32, #tpu.memory_space<hbm>>)
      %add3A_264 = arith.constant 32 : i32
      %add3A_265 = arith.addi %add3A, %add3A_264 : i32
      %dma_wait3A_266 = arith.constant 4096 : i32
      %dma_wait3A_267 = tpu.memref_slice %arg6[%dma_wait3A_266] : memref<25600xf32, #tpu.memory_space<vmem>> -> memref<4096xf32, #tpu.memory_space<vmem>>
      %dma_wait3A_268 = arith.constant 0 : i32
      %dma_wait3A_269 = tpu.memref_slice %arg4[%add3A_265, %sub3A_251, %dma_wait3A_268] : memref<200x64x4096xf32, #tpu.memory_space<hbm>> -> memref<1x1x4096xf32, #tpu.memory_space<hbm>>
      %dma_wait3A_270 = tpu.memref_squeeze %dma_wait3A_269 : memref<1x1x4096xf32, #tpu.memory_space<hbm>> -> memref<4096xf32, #tpu.memory_space<hbm>>
      %dma_wait3A_271 = arith.constant 0 : i32
      %dma_wait3A_272 = tpu.memref_slice %arg4[%add3A_265, %sub3A_251, %dma_wait3A_271] : memref<200x64x4096xf32, #tpu.memory_space<hbm>> -> memref<1x1x4096xf32, #tpu.memory_space<hbm>>
      %dma_wait3A_273 = tpu.memref_squeeze %dma_wait3A_272 : memref<1x1x4096xf32, #tpu.memory_space<hbm>> -> memref<4096xf32, #tpu.memory_space<hbm>>
      %dma_wait3A_274 = arith.constant 4096 : i32
      %dma_wait3A_275 = tpu.memref_slice %arg6[%dma_wait3A_274] : memref<25600xf32, #tpu.memory_space<vmem>> -> memref<4096xf32, #tpu.memory_space<vmem>>
      tpu.wait_dma2 semaphore(%arg9 : memref<!tpu.dma_semaphore, #tpu.memory_space<semaphore_mem>>) src(%dma_wait3A_275 : memref<4096xf32, #tpu.memory_space<vmem>>) dst(%dma_wait3A_273 : memref<4096xf32, #tpu.memory_space<hbm>>)
      %add3A_276 = arith.constant 64 : i32
      %add3A_277 = arith.addi %add3A, %add3A_276 : i32
      %dma_wait3A_278 = arith.constant 8192 : i32
      %dma_wait3A_279 = tpu.memref_slice %arg6[%dma_wait3A_278] : memref<25600xf32, #tpu.memory_space<vmem>> -> memref<4096xf32, #tpu.memory_space<vmem>>
      %dma_wait3A_280 = arith.constant 0 : i32
      %dma_wait3A_281 = tpu.memref_slice %arg4[%add3A_277, %sub3A_251, %dma_wait3A_280] : memref<200x64x4096xf32, #tpu.memory_space<hbm>> -> memref<1x1x4096xf32, #tpu.memory_space<hbm>>
      %dma_wait3A_282 = tpu.memref_squeeze %dma_wait3A_281 : memref<1x1x4096xf32, #tpu.memory_space<hbm>> -> memref<4096xf32, #tpu.memory_space<hbm>>
      %dma_wait3A_283 = arith.constant 0 : i32
      %dma_wait3A_284 = tpu.memref_slice %arg4[%add3A_277, %sub3A_251, %dma_wait3A_283] : memref<200x64x4096xf32, #tpu.memory_space<hbm>> -> memref<1x1x4096xf32, #tpu.memory_space<hbm>>
      %dma_wait3A_285 = tpu.memref_squeeze %dma_wait3A_284 : memref<1x1x4096xf32, #tpu.memory_space<hbm>> -> memref<4096xf32, #tpu.memory_space<hbm>>
      %dma_wait3A_286 = arith.constant 8192 : i32
      %dma_wait3A_287 = tpu.memref_slice %arg6[%dma_wait3A_286] : memref<25600xf32, #tpu.memory_space<vmem>> -> memref<4096xf32, #tpu.memory_space<vmem>>
      tpu.wait_dma2 semaphore(%arg9 : memref<!tpu.dma_semaphore, #tpu.memory_space<semaphore_mem>>) src(%dma_wait3A_287 : memref<4096xf32, #tpu.memory_space<vmem>>) dst(%dma_wait3A_285 : memref<4096xf32, #tpu.memory_space<hbm>>)
      %add3A_288 = arith.constant 96 : i32
      %add3A_289 = arith.addi %add3A, %add3A_288 : i32
      %dma_wait3A_290 = arith.constant 12288 : i32
      %dma_wait3A_291 = tpu.memref_slice %arg6[%dma_wait3A_290] : memref<25600xf32, #tpu.memory_space<vmem>> -> memref<4096xf32, #tpu.memory_space<vmem>>
      %dma_wait3A_292 = arith.constant 0 : i32
      %dma_wait3A_293 = tpu.memref_slice %arg4[%add3A_289, %sub3A_251, %dma_wait3A_292] : memref<200x64x4096xf32, #tpu.memory_space<hbm>> -> memref<1x1x4096xf32, #tpu.memory_space<hbm>>
      %dma_wait3A_294 = tpu.memref_squeeze %dma_wait3A_293 : memref<1x1x4096xf32, #tpu.memory_space<hbm>> -> memref<4096xf32, #tpu.memory_space<hbm>>
      %dma_wait3A_295 = arith.constant 0 : i32
      %dma_wait3A_296 = tpu.memref_slice %arg4[%add3A_289, %sub3A_251, %dma_wait3A_295] : memref<200x64x4096xf32, #tpu.memory_space<hbm>> -> memref<1x1x4096xf32, #tpu.memory_space<hbm>>
      %dma_wait3A_297 = tpu.memref_squeeze %dma_wait3A_296 : memref<1x1x4096xf32, #tpu.memory_space<hbm>> -> memref<4096xf32, #tpu.memory_space<hbm>>
      %dma_wait3A_298 = arith.constant 12288 : i32
      %dma_wait3A_299 = tpu.memref_slice %arg6[%dma_wait3A_298] : memref<25600xf32, #tpu.memory_space<vmem>> -> memref<4096xf32, #tpu.memory_space<vmem>>
      tpu.wait_dma2 semaphore(%arg9 : memref<!tpu.dma_semaphore, #tpu.memory_space<semaphore_mem>>) src(%dma_wait3A_299 : memref<4096xf32, #tpu.memory_space<vmem>>) dst(%dma_wait3A_297 : memref<4096xf32, #tpu.memory_space<hbm>>)
      %add3A_300 = arith.constant 128 : i32
      %add3A_301 = arith.addi %add3A, %add3A_300 : i32
      %dma_wait3A_302 = arith.constant 16384 : i32
      %dma_wait3A_303 = tpu.memref_slice %arg6[%dma_wait3A_302] : memref<25600xf32, #tpu.memory_space<vmem>> -> memref<4096xf32, #tpu.memory_space<vmem>>
      %dma_wait3A_304 = arith.constant 0 : i32
      %dma_wait3A_305 = tpu.memref_slice %arg4[%add3A_301, %sub3A_251, %dma_wait3A_304] : memref<200x64x4096xf32, #tpu.memory_space<hbm>> -> memref<1x1x4096xf32, #tpu.memory_space<hbm>>
      %dma_wait3A_306 = tpu.memref_squeeze %dma_wait3A_305 : memref<1x1x4096xf32, #tpu.memory_space<hbm>> -> memref<4096xf32, #tpu.memory_space<hbm>>
      %dma_wait3A_307 = arith.constant 0 : i32
      %dma_wait3A_308 = tpu.memref_slice %arg4[%add3A_301, %sub3A_251, %dma_wait3A_307] : memref<200x64x4096xf32, #tpu.memory_space<hbm>> -> memref<1x1x4096xf32, #tpu.memory_space<hbm>>
      %dma_wait3A_309 = tpu.memref_squeeze %dma_wait3A_308 : memref<1x1x4096xf32, #tpu.memory_space<hbm>> -> memref<4096xf32, #tpu.memory_space<hbm>>
      %dma_wait3A_310 = arith.constant 16384 : i32
      %dma_wait3A_311 = tpu.memref_slice %arg6[%dma_wait3A_310] : memref<25600xf32, #tpu.memory_space<vmem>> -> memref<4096xf32, #tpu.memory_space<vmem>>
      tpu.wait_dma2 semaphore(%arg9 : memref<!tpu.dma_semaphore, #tpu.memory_space<semaphore_mem>>) src(%dma_wait3A_311 : memref<4096xf32, #tpu.memory_space<vmem>>) dst(%dma_wait3A_309 : memref<4096xf32, #tpu.memory_space<hbm>>)
      %add3A_312 = arith.constant 160 : i32
      %add3A_313 = arith.addi %add3A, %add3A_312 : i32
      %dma_wait3A_314 = arith.constant 20480 : i32
      %dma_wait3A_315 = tpu.memref_slice %arg6[%dma_wait3A_314] : memref<25600xf32, #tpu.memory_space<vmem>> -> memref<4096xf32, #tpu.memory_space<vmem>>
      %dma_wait3A_316 = arith.constant 0 : i32
      %dma_wait3A_317 = tpu.memref_slice %arg4[%add3A_313, %sub3A_251, %dma_wait3A_316] : memref<200x64x4096xf32, #tpu.memory_space<hbm>> -> memref<1x1x4096xf32, #tpu.memory_space<hbm>>
      %dma_wait3A_318 = tpu.memref_squeeze %dma_wait3A_317 : memref<1x1x4096xf32, #tpu.memory_space<hbm>> -> memref<4096xf32, #tpu.memory_space<hbm>>
      %dma_wait3A_319 = arith.constant 0 : i32
      %dma_wait3A_320 = tpu.memref_slice %arg4[%add3A_313, %sub3A_251, %dma_wait3A_319] : memref<200x64x4096xf32, #tpu.memory_space<hbm>> -> memref<1x1x4096xf32, #tpu.memory_space<hbm>>
      %dma_wait3A_321 = tpu.memref_squeeze %dma_wait3A_320 : memref<1x1x4096xf32, #tpu.memory_space<hbm>> -> memref<4096xf32, #tpu.memory_space<hbm>>
      %dma_wait3A_322 = arith.constant 20480 : i32
      %dma_wait3A_323 = tpu.memref_slice %arg6[%dma_wait3A_322] : memref<25600xf32, #tpu.memory_space<vmem>> -> memref<4096xf32, #tpu.memory_space<vmem>>
      tpu.wait_dma2 semaphore(%arg9 : memref<!tpu.dma_semaphore, #tpu.memory_space<semaphore_mem>>) src(%dma_wait3A_323 : memref<4096xf32, #tpu.memory_space<vmem>>) dst(%dma_wait3A_321 : memref<4096xf32, #tpu.memory_space<hbm>>)
      %dma_wait3A_324 = arith.constant 24576 : i32
      %dma_wait3A_325 = tpu.memref_slice %arg6[%dma_wait3A_324] : memref<25600xf32, #tpu.memory_space<vmem>> -> memref<1024xf32, #tpu.memory_space<vmem>>
      %dma_wait3A_326 = tpu.memref_slice %arg4[%add3A_18, %sub3A_251, %mul3A_34] : memref<200x64x4096xf32, #tpu.memory_space<hbm>> -> memref<1x1x1024xf32, #tpu.memory_space<hbm>>
      %dma_wait3A_327 = tpu.memref_squeeze %dma_wait3A_326 : memref<1x1x1024xf32, #tpu.memory_space<hbm>> -> memref<1024xf32, #tpu.memory_space<hbm>>
      %dma_wait3A_328 = tpu.memref_slice %arg4[%add3A_18, %sub3A_251, %mul3A_34] : memref<200x64x4096xf32, #tpu.memory_space<hbm>> -> memref<1x1x1024xf32, #tpu.memory_space<hbm>>
      %dma_wait3A_329 = tpu.memref_squeeze %dma_wait3A_328 : memref<1x1x1024xf32, #tpu.memory_space<hbm>> -> memref<1024xf32, #tpu.memory_space<hbm>>
      %dma_wait3A_330 = arith.constant 24576 : i32
      %dma_wait3A_331 = tpu.memref_slice %arg6[%dma_wait3A_330] : memref<25600xf32, #tpu.memory_space<vmem>> -> memref<1024xf32, #tpu.memory_space<vmem>>
      tpu.wait_dma2 semaphore(%arg9 : memref<!tpu.dma_semaphore, #tpu.memory_space<semaphore_mem>>) src(%dma_wait3A_331 : memref<1024xf32, #tpu.memory_space<vmem>>) dst(%dma_wait3A_329 : memref<1024xf32, #tpu.memory_space<hbm>>)
      "tpu.region"() ({
        %run_scoped3A = tpu.sem_alloc : memref<!tpu.dma_semaphore, #tpu.memory_space<semaphore_mem>>
        %dma_start3A_423 = arith.constant 0 : i32
        %dma_start3A_424 = tpu.memref_slice %arg7[%dma_start3A_423] : memref<1000000xf32, #tpu.memory_space<vmem_shared>> -> memref<1000000xf32, #tpu.memory_space<vmem_shared>>
        tpu.enqueue_indirect_dma source(%dma_start3A_424 : memref<1000000xf32, #tpu.memory_space<vmem_shared>>) target(%arg6 : memref<25600xf32, #tpu.memory_space<vmem>>) offsets(%arg5 : memref<25600xi32, #tpu.memory_space<vmem>>) semaphore(%run_scoped3A : memref<!tpu.dma_semaphore, #tpu.memory_space<semaphore_mem>>)
        %dma_wait3A_425 = arith.constant 0 : i32
        %dma_wait3A_426 = tpu.memref_slice %arg7[%dma_wait3A_425] : memref<1000000xf32, #tpu.memory_space<vmem_shared>> -> memref<1000000xf32, #tpu.memory_space<vmem_shared>>
        tpu.wait_indirect_dma semaphore(%run_scoped3A : memref<!tpu.dma_semaphore, #tpu.memory_space<semaphore_mem>>) src(%dma_wait3A_426 : memref<1000000xf32, #tpu.memory_space<vmem_shared>>) dst(%arg6 : memref<25600xf32, #tpu.memory_space<vmem>>)
        tpu.yield
      }) : () -> ()
      %barrier3A_332 = arith.constant 0 : index
      tpu.barrier barrier_id(%barrier3A_332)
      %eq3A_333 = arith.constant 0 : i32
      %eq3A_334 = arith.cmpi eq, %arg1, %eq3A_333 : i32
      %add3A_335 = arith.constant 1 : i32
      %add3A_336 = arith.addi %add3A_243, %add3A_335 : i32
      %lt3A_337 = arith.constant 64 : i32
      %lt3A_338 = arith.cmpi slt, %add3A_336, %lt3A_337 : i32
      %and3A_339 = arith.andi %eq3A_334, %lt3A_338 : i1
      %convert_element_type3A_340 = arith.extui %and3A_339 : i1 to i32
      %cond3A_341 = arith.constant 0 : i32
      %cond3A_342 = arith.cmpi ne, %convert_element_type3A_340, %cond3A_341 : i32
      scf.if %cond3A_342 {
        %add3A_423 = arith.constant 1 : i32
        %add3A_424 = arith.addi %add3A_243, %add3A_423 : i32
        %dma_start3A_425 = arith.constant 0 : i32
        %dma_start3A_426 = tpu.memref_slice %arg2[%add3A_424, %dma_start3A_425] : memref<64x1000000xf32, #tpu.memory_space<hbm>> -> memref<1x1000000xf32, #tpu.memory_space<hbm>>
        %dma_start3A_427 = tpu.memref_squeeze %dma_start3A_426 : memref<1x1000000xf32, #tpu.memory_space<hbm>> -> memref<1000000xf32, #tpu.memory_space<hbm>>
        tpu.enqueue_dma source(%dma_start3A_427 : memref<1000000xf32, #tpu.memory_space<hbm>>) target(%arg7 : memref<1000000xf32, #tpu.memory_space<vmem_shared>>) target_semaphore(%arg8 : memref<!tpu.dma_semaphore, #tpu.memory_space<semaphore_mem>>)
      } else {
      }
      %add3A_343 = arith.constant 0 : i32
      %add3A_344 = arith.addi %add3A, %add3A_343 : i32
      %dma_start3A_345 = arith.constant 0 : i32
      %dma_start3A_346 = tpu.memref_slice %arg6[%dma_start3A_345] : memref<25600xf32, #tpu.memory_space<vmem>> -> memref<4096xf32, #tpu.memory_space<vmem>>
      %dma_start3A_347 = arith.constant 0 : i32
      %dma_start3A_348 = tpu.memref_slice %arg4[%add3A_344, %add3A_243, %dma_start3A_347] : memref<200x64x4096xf32, #tpu.memory_space<hbm>> -> memref<1x1x4096xf32, #tpu.memory_space<hbm>>
      %dma_start3A_349 = tpu.memref_squeeze %dma_start3A_348 : memref<1x1x4096xf32, #tpu.memory_space<hbm>> -> memref<4096xf32, #tpu.memory_space<hbm>>
      %dma_start3A_350 = arith.constant 0 : i32
      %dma_start3A_351 = tpu.memref_slice %arg4[%add3A_344, %add3A_243, %dma_start3A_350] : memref<200x64x4096xf32, #tpu.memory_space<hbm>> -> memref<1x1x4096xf32, #tpu.memory_space<hbm>>
      %dma_start3A_352 = tpu.memref_squeeze %dma_start3A_351 : memref<1x1x4096xf32, #tpu.memory_space<hbm>> -> memref<4096xf32, #tpu.memory_space<hbm>>
      %dma_start3A_353 = arith.constant 0 : i32
      %dma_start3A_354 = tpu.memref_slice %arg6[%dma_start3A_353] : memref<25600xf32, #tpu.memory_space<vmem>> -> memref<4096xf32, #tpu.memory_space<vmem>>
      tpu.enqueue_dma source(%dma_start3A_354 : memref<4096xf32, #tpu.memory_space<vmem>>) target(%dma_start3A_352 : memref<4096xf32, #tpu.memory_space<hbm>>) target_semaphore(%arg9 : memref<!tpu.dma_semaphore, #tpu.memory_space<semaphore_mem>>)
      %add3A_355 = arith.constant 32 : i32
      %add3A_356 = arith.addi %add3A, %add3A_355 : i32
      %dma_start3A_357 = arith.constant 4096 : i32
      %dma_start3A_358 = tpu.memref_slice %arg6[%dma_start3A_357] : memref<25600xf32, #tpu.memory_space<vmem>> -> memref<4096xf32, #tpu.memory_space<vmem>>
      %dma_start3A_359 = arith.constant 0 : i32
      %dma_start3A_360 = tpu.memref_slice %arg4[%add3A_356, %add3A_243, %dma_start3A_359] : memref<200x64x4096xf32, #tpu.memory_space<hbm>> -> memref<1x1x4096xf32, #tpu.memory_space<hbm>>
      %dma_start3A_361 = tpu.memref_squeeze %dma_start3A_360 : memref<1x1x4096xf32, #tpu.memory_space<hbm>> -> memref<4096xf32, #tpu.memory_space<hbm>>
      %dma_start3A_362 = arith.constant 0 : i32
      %dma_start3A_363 = tpu.memref_slice %arg4[%add3A_356, %add3A_243, %dma_start3A_362] : memref<200x64x4096xf32, #tpu.memory_space<hbm>> -> memref<1x1x4096xf32, #tpu.memory_space<hbm>>
      %dma_start3A_364 = tpu.memref_squeeze %dma_start3A_363 : memref<1x1x4096xf32, #tpu.memory_space<hbm>> -> memref<4096xf32, #tpu.memory_space<hbm>>
      %dma_start3A_365 = arith.constant 4096 : i32
      %dma_start3A_366 = tpu.memref_slice %arg6[%dma_start3A_365] : memref<25600xf32, #tpu.memory_space<vmem>> -> memref<4096xf32, #tpu.memory_space<vmem>>
      tpu.enqueue_dma source(%dma_start3A_366 : memref<4096xf32, #tpu.memory_space<vmem>>) target(%dma_start3A_364 : memref<4096xf32, #tpu.memory_space<hbm>>) target_semaphore(%arg9 : memref<!tpu.dma_semaphore, #tpu.memory_space<semaphore_mem>>)
      %add3A_367 = arith.constant 64 : i32
      %add3A_368 = arith.addi %add3A, %add3A_367 : i32
      %dma_start3A_369 = arith.constant 8192 : i32
      %dma_start3A_370 = tpu.memref_slice %arg6[%dma_start3A_369] : memref<25600xf32, #tpu.memory_space<vmem>> -> memref<4096xf32, #tpu.memory_space<vmem>>
      %dma_start3A_371 = arith.constant 0 : i32
      %dma_start3A_372 = tpu.memref_slice %arg4[%add3A_368, %add3A_243, %dma_start3A_371] : memref<200x64x4096xf32, #tpu.memory_space<hbm>> -> memref<1x1x4096xf32, #tpu.memory_space<hbm>>
      %dma_start3A_373 = tpu.memref_squeeze %dma_start3A_372 : memref<1x1x4096xf32, #tpu.memory_space<hbm>> -> memref<4096xf32, #tpu.memory_space<hbm>>
      %dma_start3A_374 = arith.constant 0 : i32
      %dma_start3A_375 = tpu.memref_slice %arg4[%add3A_368, %add3A_243, %dma_start3A_374] : memref<200x64x4096xf32, #tpu.memory_space<hbm>> -> memref<1x1x4096xf32, #tpu.memory_space<hbm>>
      %dma_start3A_376 = tpu.memref_squeeze %dma_start3A_375 : memref<1x1x4096xf32, #tpu.memory_space<hbm>> -> memref<4096xf32, #tpu.memory_space<hbm>>
      %dma_start3A_377 = arith.constant 8192 : i32
      %dma_start3A_378 = tpu.memref_slice %arg6[%dma_start3A_377] : memref<25600xf32, #tpu.memory_space<vmem>> -> memref<4096xf32, #tpu.memory_space<vmem>>
      tpu.enqueue_dma source(%dma_start3A_378 : memref<4096xf32, #tpu.memory_space<vmem>>) target(%dma_start3A_376 : memref<4096xf32, #tpu.memory_space<hbm>>) target_semaphore(%arg9 : memref<!tpu.dma_semaphore, #tpu.memory_space<semaphore_mem>>)
      %add3A_379 = arith.constant 96 : i32
      %add3A_380 = arith.addi %add3A, %add3A_379 : i32
      %dma_start3A_381 = arith.constant 12288 : i32
      %dma_start3A_382 = tpu.memref_slice %arg6[%dma_start3A_381] : memref<25600xf32, #tpu.memory_space<vmem>> -> memref<4096xf32, #tpu.memory_space<vmem>>
      %dma_start3A_383 = arith.constant 0 : i32
      %dma_start3A_384 = tpu.memref_slice %arg4[%add3A_380, %add3A_243, %dma_start3A_383] : memref<200x64x4096xf32, #tpu.memory_space<hbm>> -> memref<1x1x4096xf32, #tpu.memory_space<hbm>>
      %dma_start3A_385 = tpu.memref_squeeze %dma_start3A_384 : memref<1x1x4096xf32, #tpu.memory_space<hbm>> -> memref<4096xf32, #tpu.memory_space<hbm>>
      %dma_start3A_386 = arith.constant 0 : i32
      %dma_start3A_387 = tpu.memref_slice %arg4[%add3A_380, %add3A_243, %dma_start3A_386] : memref<200x64x4096xf32, #tpu.memory_space<hbm>> -> memref<1x1x4096xf32, #tpu.memory_space<hbm>>
      %dma_start3A_388 = tpu.memref_squeeze %dma_start3A_387 : memref<1x1x4096xf32, #tpu.memory_space<hbm>> -> memref<4096xf32, #tpu.memory_space<hbm>>
      %dma_start3A_389 = arith.constant 12288 : i32
      %dma_start3A_390 = tpu.memref_slice %arg6[%dma_start3A_389] : memref<25600xf32, #tpu.memory_space<vmem>> -> memref<4096xf32, #tpu.memory_space<vmem>>
      tpu.enqueue_dma source(%dma_start3A_390 : memref<4096xf32, #tpu.memory_space<vmem>>) target(%dma_start3A_388 : memref<4096xf32, #tpu.memory_space<hbm>>) target_semaphore(%arg9 : memref<!tpu.dma_semaphore, #tpu.memory_space<semaphore_mem>>)
      %add3A_391 = arith.constant 128 : i32
      %add3A_392 = arith.addi %add3A, %add3A_391 : i32
      %dma_start3A_393 = arith.constant 16384 : i32
      %dma_start3A_394 = tpu.memref_slice %arg6[%dma_start3A_393] : memref<25600xf32, #tpu.memory_space<vmem>> -> memref<4096xf32, #tpu.memory_space<vmem>>
      %dma_start3A_395 = arith.constant 0 : i32
      %dma_start3A_396 = tpu.memref_slice %arg4[%add3A_392, %add3A_243, %dma_start3A_395] : memref<200x64x4096xf32, #tpu.memory_space<hbm>> -> memref<1x1x4096xf32, #tpu.memory_space<hbm>>
      %dma_start3A_397 = tpu.memref_squeeze %dma_start3A_396 : memref<1x1x4096xf32, #tpu.memory_space<hbm>> -> memref<4096xf32, #tpu.memory_space<hbm>>
      %dma_start3A_398 = arith.constant 0 : i32
      %dma_start3A_399 = tpu.memref_slice %arg4[%add3A_392, %add3A_243, %dma_start3A_398] : memref<200x64x4096xf32, #tpu.memory_space<hbm>> -> memref<1x1x4096xf32, #tpu.memory_space<hbm>>
      %dma_start3A_400 = tpu.memref_squeeze %dma_start3A_399 : memref<1x1x4096xf32, #tpu.memory_space<hbm>> -> memref<4096xf32, #tpu.memory_space<hbm>>
      %dma_start3A_401 = arith.constant 16384 : i32
      %dma_start3A_402 = tpu.memref_slice %arg6[%dma_start3A_401] : memref<25600xf32, #tpu.memory_space<vmem>> -> memref<4096xf32, #tpu.memory_space<vmem>>
      tpu.enqueue_dma source(%dma_start3A_402 : memref<4096xf32, #tpu.memory_space<vmem>>) target(%dma_start3A_400 : memref<4096xf32, #tpu.memory_space<hbm>>) target_semaphore(%arg9 : memref<!tpu.dma_semaphore, #tpu.memory_space<semaphore_mem>>)
      %add3A_403 = arith.constant 160 : i32
      %add3A_404 = arith.addi %add3A, %add3A_403 : i32
      %dma_start3A_405 = arith.constant 20480 : i32
      %dma_start3A_406 = tpu.memref_slice %arg6[%dma_start3A_405] : memref<25600xf32, #tpu.memory_space<vmem>> -> memref<4096xf32, #tpu.memory_space<vmem>>
      %dma_start3A_407 = arith.constant 0 : i32
      %dma_start3A_408 = tpu.memref_slice %arg4[%add3A_404, %add3A_243, %dma_start3A_407] : memref<200x64x4096xf32, #tpu.memory_space<hbm>> -> memref<1x1x4096xf32, #tpu.memory_space<hbm>>
      %dma_start3A_409 = tpu.memref_squeeze %dma_start3A_408 : memref<1x1x4096xf32, #tpu.memory_space<hbm>> -> memref<4096xf32, #tpu.memory_space<hbm>>
      %dma_start3A_410 = arith.constant 0 : i32
      %dma_start3A_411 = tpu.memref_slice %arg4[%add3A_404, %add3A_243, %dma_start3A_410] : memref<200x64x4096xf32, #tpu.memory_space<hbm>> -> memref<1x1x4096xf32, #tpu.memory_space<hbm>>
      %dma_start3A_412 = tpu.memref_squeeze %dma_start3A_411 : memref<1x1x4096xf32, #tpu.memory_space<hbm>> -> memref<4096xf32, #tpu.memory_space<hbm>>
      %dma_start3A_413 = arith.constant 20480 : i32
      %dma_start3A_414 = tpu.memref_slice %arg6[%dma_start3A_413] : memref<25600xf32, #tpu.memory_space<vmem>> -> memref<4096xf32, #tpu.memory_space<vmem>>
      tpu.enqueue_dma source(%dma_start3A_414 : memref<4096xf32, #tpu.memory_space<vmem>>) target(%dma_start3A_412 : memref<4096xf32, #tpu.memory_space<hbm>>) target_semaphore(%arg9 : memref<!tpu.dma_semaphore, #tpu.memory_space<semaphore_mem>>)
      %dma_start3A_415 = arith.constant 24576 : i32
      %dma_start3A_416 = tpu.memref_slice %arg6[%dma_start3A_415] : memref<25600xf32, #tpu.memory_space<vmem>> -> memref<1024xf32, #tpu.memory_space<vmem>>
      %dma_start3A_417 = tpu.memref_slice %arg4[%add3A_18, %add3A_243, %mul3A_34] : memref<200x64x4096xf32, #tpu.memory_space<hbm>> -> memref<1x1x1024xf32, #tpu.memory_space<hbm>>
      %dma_start3A_418 = tpu.memref_squeeze %dma_start3A_417 : memref<1x1x1024xf32, #tpu.memory_space<hbm>> -> memref<1024xf32, #tpu.memory_space<hbm>>
      %dma_start3A_419 = tpu.memref_slice %arg4[%add3A_18, %add3A_243, %mul3A_34] : memref<200x64x4096xf32, #tpu.memory_space<hbm>> -> memref<1x1x1024xf32, #tpu.memory_space<hbm>>
      %dma_start3A_420 = tpu.memref_squeeze %dma_start3A_419 : memref<1x1x1024xf32, #tpu.memory_space<hbm>> -> memref<1024xf32, #tpu.memory_space<hbm>>
      %dma_start3A_421 = arith.constant 24576 : i32
      %dma_start3A_422 = tpu.memref_slice %arg6[%dma_start3A_421] : memref<25600xf32, #tpu.memory_space<vmem>> -> memref<1024xf32, #tpu.memory_space<vmem>>
      tpu.enqueue_dma source(%dma_start3A_422 : memref<1024xf32, #tpu.memory_space<vmem>>) target(%dma_start3A_420 : memref<1024xf32, #tpu.memory_space<hbm>>) target_semaphore(%arg9 : memref<!tpu.dma_semaphore, #tpu.memory_space<semaphore_mem>>)
    }
    %scan3A_152 = arith.constant 63 : i32
    %add3A_153 = arith.constant 0 : i32
    %add3A_154 = arith.addi %add3A, %add3A_153 : i32
    %dma_wait3A = arith.constant 63 : i32
    %dma_wait3A_155 = arith.constant 0 : i32
    %dma_wait3A_156 = tpu.memref_slice %arg6[%dma_wait3A_155] : memref<25600xf32, #tpu.memory_space<vmem>> -> memref<4096xf32, #tpu.memory_space<vmem>>
    %dma_wait3A_157 = arith.constant 0 : i32
    %dma_wait3A_158 = tpu.memref_slice %arg4[%add3A_154, %dma_wait3A, %dma_wait3A_157] : memref<200x64x4096xf32, #tpu.memory_space<hbm>> -> memref<1x1x4096xf32, #tpu.memory_space<hbm>>
    %dma_wait3A_159 = tpu.memref_squeeze %dma_wait3A_158 : memref<1x1x4096xf32, #tpu.memory_space<hbm>> -> memref<4096xf32, #tpu.memory_space<hbm>>
    %dma_wait3A_160 = arith.constant 0 : i32
    %dma_wait3A_161 = tpu.memref_slice %arg4[%add3A_154, %dma_wait3A, %dma_wait3A_160] : memref<200x64x4096xf32, #tpu.memory_space<hbm>> -> memref<1x1x4096xf32, #tpu.memory_space<hbm>>
    %dma_wait3A_162 = tpu.memref_squeeze %dma_wait3A_161 : memref<1x1x4096xf32, #tpu.memory_space<hbm>> -> memref<4096xf32, #tpu.memory_space<hbm>>
    %dma_wait3A_163 = arith.constant 0 : i32
    %dma_wait3A_164 = tpu.memref_slice %arg6[%dma_wait3A_163] : memref<25600xf32, #tpu.memory_space<vmem>> -> memref<4096xf32, #tpu.memory_space<vmem>>
    tpu.wait_dma2 semaphore(%arg9 : memref<!tpu.dma_semaphore, #tpu.memory_space<semaphore_mem>>) src(%dma_wait3A_164 : memref<4096xf32, #tpu.memory_space<vmem>>) dst(%dma_wait3A_162 : memref<4096xf32, #tpu.memory_space<hbm>>)
    %add3A_165 = arith.constant 32 : i32
    %add3A_166 = arith.addi %add3A, %add3A_165 : i32
    %dma_wait3A_167 = arith.constant 63 : i32
    %dma_wait3A_168 = arith.constant 4096 : i32
    %dma_wait3A_169 = tpu.memref_slice %arg6[%dma_wait3A_168] : memref<25600xf32, #tpu.memory_space<vmem>> -> memref<4096xf32, #tpu.memory_space<vmem>>
    %dma_wait3A_170 = arith.constant 0 : i32
    %dma_wait3A_171 = tpu.memref_slice %arg4[%add3A_166, %dma_wait3A_167, %dma_wait3A_170] : memref<200x64x4096xf32, #tpu.memory_space<hbm>> -> memref<1x1x4096xf32, #tpu.memory_space<hbm>>
    %dma_wait3A_172 = tpu.memref_squeeze %dma_wait3A_171 : memref<1x1x4096xf32, #tpu.memory_space<hbm>> -> memref<4096xf32, #tpu.memory_space<hbm>>
    %dma_wait3A_173 = arith.constant 0 : i32
    %dma_wait3A_174 = tpu.memref_slice %arg4[%add3A_166, %dma_wait3A_167, %dma_wait3A_173] : memref<200x64x4096xf32, #tpu.memory_space<hbm>> -> memref<1x1x4096xf32, #tpu.memory_space<hbm>>
    %dma_wait3A_175 = tpu.memref_squeeze %dma_wait3A_174 : memref<1x1x4096xf32, #tpu.memory_space<hbm>> -> memref<4096xf32, #tpu.memory_space<hbm>>
    %dma_wait3A_176 = arith.constant 4096 : i32
    %dma_wait3A_177 = tpu.memref_slice %arg6[%dma_wait3A_176] : memref<25600xf32, #tpu.memory_space<vmem>> -> memref<4096xf32, #tpu.memory_space<vmem>>
    tpu.wait_dma2 semaphore(%arg9 : memref<!tpu.dma_semaphore, #tpu.memory_space<semaphore_mem>>) src(%dma_wait3A_177 : memref<4096xf32, #tpu.memory_space<vmem>>) dst(%dma_wait3A_175 : memref<4096xf32, #tpu.memory_space<hbm>>)
    %add3A_178 = arith.constant 64 : i32
    %add3A_179 = arith.addi %add3A, %add3A_178 : i32
    %dma_wait3A_180 = arith.constant 63 : i32
    %dma_wait3A_181 = arith.constant 8192 : i32
    %dma_wait3A_182 = tpu.memref_slice %arg6[%dma_wait3A_181] : memref<25600xf32, #tpu.memory_space<vmem>> -> memref<4096xf32, #tpu.memory_space<vmem>>
    %dma_wait3A_183 = arith.constant 0 : i32
    %dma_wait3A_184 = tpu.memref_slice %arg4[%add3A_179, %dma_wait3A_180, %dma_wait3A_183] : memref<200x64x4096xf32, #tpu.memory_space<hbm>> -> memref<1x1x4096xf32, #tpu.memory_space<hbm>>
    %dma_wait3A_185 = tpu.memref_squeeze %dma_wait3A_184 : memref<1x1x4096xf32, #tpu.memory_space<hbm>> -> memref<4096xf32, #tpu.memory_space<hbm>>
    %dma_wait3A_186 = arith.constant 0 : i32
    %dma_wait3A_187 = tpu.memref_slice %arg4[%add3A_179, %dma_wait3A_180, %dma_wait3A_186] : memref<200x64x4096xf32, #tpu.memory_space<hbm>> -> memref<1x1x4096xf32, #tpu.memory_space<hbm>>
    %dma_wait3A_188 = tpu.memref_squeeze %dma_wait3A_187 : memref<1x1x4096xf32, #tpu.memory_space<hbm>> -> memref<4096xf32, #tpu.memory_space<hbm>>
    %dma_wait3A_189 = arith.constant 8192 : i32
    %dma_wait3A_190 = tpu.memref_slice %arg6[%dma_wait3A_189] : memref<25600xf32, #tpu.memory_space<vmem>> -> memref<4096xf32, #tpu.memory_space<vmem>>
    tpu.wait_dma2 semaphore(%arg9 : memref<!tpu.dma_semaphore, #tpu.memory_space<semaphore_mem>>) src(%dma_wait3A_190 : memref<4096xf32, #tpu.memory_space<vmem>>) dst(%dma_wait3A_188 : memref<4096xf32, #tpu.memory_space<hbm>>)
    %add3A_191 = arith.constant 96 : i32
    %add3A_192 = arith.addi %add3A, %add3A_191 : i32
    %dma_wait3A_193 = arith.constant 63 : i32
    %dma_wait3A_194 = arith.constant 12288 : i32
    %dma_wait3A_195 = tpu.memref_slice %arg6[%dma_wait3A_194] : memref<25600xf32, #tpu.memory_space<vmem>> -> memref<4096xf32, #tpu.memory_space<vmem>>
    %dma_wait3A_196 = arith.constant 0 : i32
    %dma_wait3A_197 = tpu.memref_slice %arg4[%add3A_192, %dma_wait3A_193, %dma_wait3A_196] : memref<200x64x4096xf32, #tpu.memory_space<hbm>> -> memref<1x1x4096xf32, #tpu.memory_space<hbm>>
    %dma_wait3A_198 = tpu.memref_squeeze %dma_wait3A_197 : memref<1x1x4096xf32, #tpu.memory_space<hbm>> -> memref<4096xf32, #tpu.memory_space<hbm>>
    %dma_wait3A_199 = arith.constant 0 : i32
    %dma_wait3A_200 = tpu.memref_slice %arg4[%add3A_192, %dma_wait3A_193, %dma_wait3A_199] : memref<200x64x4096xf32, #tpu.memory_space<hbm>> -> memref<1x1x4096xf32, #tpu.memory_space<hbm>>
    %dma_wait3A_201 = tpu.memref_squeeze %dma_wait3A_200 : memref<1x1x4096xf32, #tpu.memory_space<hbm>> -> memref<4096xf32, #tpu.memory_space<hbm>>
    %dma_wait3A_202 = arith.constant 12288 : i32
    %dma_wait3A_203 = tpu.memref_slice %arg6[%dma_wait3A_202] : memref<25600xf32, #tpu.memory_space<vmem>> -> memref<4096xf32, #tpu.memory_space<vmem>>
    tpu.wait_dma2 semaphore(%arg9 : memref<!tpu.dma_semaphore, #tpu.memory_space<semaphore_mem>>) src(%dma_wait3A_203 : memref<4096xf32, #tpu.memory_space<vmem>>) dst(%dma_wait3A_201 : memref<4096xf32, #tpu.memory_space<hbm>>)
    %add3A_204 = arith.constant 128 : i32
    %add3A_205 = arith.addi %add3A, %add3A_204 : i32
    %dma_wait3A_206 = arith.constant 63 : i32
    %dma_wait3A_207 = arith.constant 16384 : i32
    %dma_wait3A_208 = tpu.memref_slice %arg6[%dma_wait3A_207] : memref<25600xf32, #tpu.memory_space<vmem>> -> memref<4096xf32, #tpu.memory_space<vmem>>
    %dma_wait3A_209 = arith.constant 0 : i32
    %dma_wait3A_210 = tpu.memref_slice %arg4[%add3A_205, %dma_wait3A_206, %dma_wait3A_209] : memref<200x64x4096xf32, #tpu.memory_space<hbm>> -> memref<1x1x4096xf32, #tpu.memory_space<hbm>>
    %dma_wait3A_211 = tpu.memref_squeeze %dma_wait3A_210 : memref<1x1x4096xf32, #tpu.memory_space<hbm>> -> memref<4096xf32, #tpu.memory_space<hbm>>
    %dma_wait3A_212 = arith.constant 0 : i32
    %dma_wait3A_213 = tpu.memref_slice %arg4[%add3A_205, %dma_wait3A_206, %dma_wait3A_212] : memref<200x64x4096xf32, #tpu.memory_space<hbm>> -> memref<1x1x4096xf32, #tpu.memory_space<hbm>>
    %dma_wait3A_214 = tpu.memref_squeeze %dma_wait3A_213 : memref<1x1x4096xf32, #tpu.memory_space<hbm>> -> memref<4096xf32, #tpu.memory_space<hbm>>
    %dma_wait3A_215 = arith.constant 16384 : i32
    %dma_wait3A_216 = tpu.memref_slice %arg6[%dma_wait3A_215] : memref<25600xf32, #tpu.memory_space<vmem>> -> memref<4096xf32, #tpu.memory_space<vmem>>
    tpu.wait_dma2 semaphore(%arg9 : memref<!tpu.dma_semaphore, #tpu.memory_space<semaphore_mem>>) src(%dma_wait3A_216 : memref<4096xf32, #tpu.memory_space<vmem>>) dst(%dma_wait3A_214 : memref<4096xf32, #tpu.memory_space<hbm>>)
    %add3A_217 = arith.constant 160 : i32
    %add3A_218 = arith.addi %add3A, %add3A_217 : i32
    %dma_wait3A_219 = arith.constant 63 : i32
    %dma_wait3A_220 = arith.constant 20480 : i32
    %dma_wait3A_221 = tpu.memref_slice %arg6[%dma_wait3A_220] : memref<25600xf32, #tpu.memory_space<vmem>> -> memref<4096xf32, #tpu.memory_space<vmem>>
    %dma_wait3A_222 = arith.constant 0 : i32
    %dma_wait3A_223 = tpu.memref_slice %arg4[%add3A_218, %dma_wait3A_219, %dma_wait3A_222] : memref<200x64x4096xf32, #tpu.memory_space<hbm>> -> memref<1x1x4096xf32, #tpu.memory_space<hbm>>
    %dma_wait3A_224 = tpu.memref_squeeze %dma_wait3A_223 : memref<1x1x4096xf32, #tpu.memory_space<hbm>> -> memref<4096xf32, #tpu.memory_space<hbm>>
    %dma_wait3A_225 = arith.constant 0 : i32
    %dma_wait3A_226 = tpu.memref_slice %arg4[%add3A_218, %dma_wait3A_219, %dma_wait3A_225] : memref<200x64x4096xf32, #tpu.memory_space<hbm>> -> memref<1x1x4096xf32, #tpu.memory_space<hbm>>
    %dma_wait3A_227 = tpu.memref_squeeze %dma_wait3A_226 : memref<1x1x4096xf32, #tpu.memory_space<hbm>> -> memref<4096xf32, #tpu.memory_space<hbm>>
    %dma_wait3A_228 = arith.constant 20480 : i32
    %dma_wait3A_229 = tpu.memref_slice %arg6[%dma_wait3A_228] : memref<25600xf32, #tpu.memory_space<vmem>> -> memref<4096xf32, #tpu.memory_space<vmem>>
    tpu.wait_dma2 semaphore(%arg9 : memref<!tpu.dma_semaphore, #tpu.memory_space<semaphore_mem>>) src(%dma_wait3A_229 : memref<4096xf32, #tpu.memory_space<vmem>>) dst(%dma_wait3A_227 : memref<4096xf32, #tpu.memory_space<hbm>>)
    %dma_wait3A_230 = arith.constant 63 : i32
    %dma_wait3A_231 = arith.constant 24576 : i32
    %dma_wait3A_232 = tpu.memref_slice %arg6[%dma_wait3A_231] : memref<25600xf32, #tpu.memory_space<vmem>> -> memref<1024xf32, #tpu.memory_space<vmem>>
    %dma_wait3A_233 = tpu.memref_slice %arg4[%add3A_18, %dma_wait3A_230, %mul3A_34] : memref<200x64x4096xf32, #tpu.memory_space<hbm>> -> memref<1x1x1024xf32, #tpu.memory_space<hbm>>
    %dma_wait3A_234 = tpu.memref_squeeze %dma_wait3A_233 : memref<1x1x1024xf32, #tpu.memory_space<hbm>> -> memref<1024xf32, #tpu.memory_space<hbm>>
    %dma_wait3A_235 = tpu.memref_slice %arg4[%add3A_18, %dma_wait3A_230, %mul3A_34] : memref<200x64x4096xf32, #tpu.memory_space<hbm>> -> memref<1x1x1024xf32, #tpu.memory_space<hbm>>
    %dma_wait3A_236 = tpu.memref_squeeze %dma_wait3A_235 : memref<1x1x1024xf32, #tpu.memory_space<hbm>> -> memref<1024xf32, #tpu.memory_space<hbm>>
    %dma_wait3A_237 = arith.constant 24576 : i32
    %dma_wait3A_238 = tpu.memref_slice %arg6[%dma_wait3A_237] : memref<25600xf32, #tpu.memory_space<vmem>> -> memref<1024xf32, #tpu.memory_space<vmem>>
    tpu.wait_dma2 semaphore(%arg9 : memref<!tpu.dma_semaphore, #tpu.memory_space<semaphore_mem>>) src(%dma_wait3A_238 : memref<1024xf32, #tpu.memory_space<vmem>>) dst(%dma_wait3A_236 : memref<1024xf32, #tpu.memory_space<hbm>>)
    return
  }
}

</mosaic_0001>

<sc_bundles>
// kernel: kernel.3.cloned.1.call-start
scs
__scs_entry_jumppad:
0x0: {  	(pc) =	sbr.rel $0x88, $3  }
0x1: {  	(tag) =	ssettag $0x0;
	lr =	simm.s32 $0x1  }
0x2: {  	[smem:$0x3F9F] =	sst lr;
	_ =	strace $0xD0000000  }
0x3: {  	_ = 	snop  }
0x4: {  	_ = 	snop  }
0x5: {  	_ = 	snop  }
0x6: {  	_ = 	snop  }
0x7: {  	_ = 	snop  }
__scs_overlays_trampoline_lowered:
0x8: {  	[smem:$0x3FAE] =	sst s0  }
0x9: {  	[smem:$0x3FAF] =	sst s1  }
0xa: {  	[smem:$0x3FB0] =	sst s2  }
0xb: {  	[smem:$0x3FB1] =	sst s3  }
0xc: {  	[smem:$0x3FB2] =	sst s4  }
0xd: {  	[smem:$0x3FB3] =	sst s5  }
0xe: {  	[smem:$0x3FB4] =	sst s6  }
0xf: {  	[smem:$0x3FB5] =	sst s7  }
0x10: {  	[smem:$0x3FB6] =	sst s8  }
0x11: {  	[smem:$0x3FB7] =	sst s9;
	s0 =	simm.s32 @!p0 $0x0  }
0x12: {  	s1 =	sld [smem:$0x3F9D];
	s0 =	simm.s32 @p0 $0x1  }
0x13: {  	[smem:$0x3FB8] =	sst s0;
	s0 =	simm.s32 @!p1 $0x0  }
0x14: {  	s2 =	sld [smem:$0x3F9C];
	s0 =	simm.s32 @p1 $0x1  }
0x15: {  	[smem:$0x3FB9] =	sst s0;
	s0 =	simm.s32 @!p2 $0x0  }
0x16: {  	s3 =	sld [smem:$0x3FDB];
	s0 =	simm.s32 @p2 $0x1  }
0x17: {  	s4 =	simm.s32 $0x1BF5;
	[smem:$0x3FBB] =	sst s0  }
0x18: {  	s0 =	sld [smem:$0x3F9E];
	_ =	swait.ge [sflag:s4], $0x0  }
0x19: {  	s7 =	sld [smem:$0x3F9F]  }
0x1a: {  	s8 =	sadd.s32 $0xFFFFE003, lr  }
0x1b: {  	s9 =	sadd.s32 $0xFFFFFEF7, lr;
	s5 =	simm.s32 $0xFFFFFFFF;
	p2 =	slt.u32 s8, $0xFFFFF086  }
0x1c: {  	p1 =	slt.u32 s9, $0xF7A;
	s5 =	simm.s32 @!p2 $0x0  }
0x1d: {  	s5 =	simm.s32 @p1 $0x1;
	p0 =	seq.s32 s7, s2  }
0x1e: {  	s7 =	smul.u32 @!p0 $0xF7A, s2;
	p2 =	seq.s32 @!p0 s5, $0x0  }
0x1f: {  	s9 =	smul.u32 $0xF7A, s1;
	s8 =	simm.s32 @!p0 $0x1BF5;
	p2 =	por !p2, p0  }
0x20: {  	[sflag:s8] =	ssyncset.s32 @!p0 $0xFFFFF086;
	s6 =	sadd.s32 @!p0 s3, s7;
	s7 =	simm.s32 @!p0 $0x108  }
0x21: {  	s3 =	sadd.s32 s3, s9;
	s6 =	sadd.s32 @!p0 $0x88, s6;
	s7 =	simm.s32 @p2 $0x1082  }
0x22: {  	[simem:s7], [sflag:s8] =	dma.local @!p0 [hbm:s6], $0xF7A  }
0x23: {  	s9 =	sor.u32 $0xD0000000, s2;
	s6 =	simm.s32 $0x108;
	_ =	swait.ge @!p0 [sflag:s8], $0x0  }
0x24: {  	s3 =	sadd.s32 $0x88, s3;
	s6 =	simm.s32 @!p1 $0x1082;
	[sflag:s4] =	ssyncset.s32 $0xFFFFF086  }
0x25: {  	[simem:s6], [sflag:s4] =	dma.local [hbm:s3], $0xF7A  }
0x26: {  	[smem:$0x3F9F] =	sst s1;
	(tag) =	ssettag s2;
	_ =	strace s9  }
0x27: {  	s1 =	sld [smem:$0x3FAF]  }
0x28: {  	s2 =	sld [smem:$0x3FB0]  }
0x29: {  	s4 =	sld [smem:$0x3FB2]  }
0x2a: {  	p0 =	seq.s32 s5, $0x0;
	s5 =	sld [smem:$0x3FB3]  }
0x2b: {  	s6 =	sld [smem:$0x3FB4]  }
0x2c: {  	s7 =	sld [smem:$0x3FB5]  }
0x2d: {  	s3 =	simm.s32 $0x108;
	s8 =	sld [smem:$0x3FB6]  }
0x2e: {  	s3 =	simm.s32 @!p0 $0x1082;
	s9 =	sld [smem:$0x3FB7]  }
0x2f: {  	lr =	sadd.s32 s0, s3;
	s0 =	sld [smem:$0x3FAE]  }
0x30: {  	s3 =	sld [smem:$0x3FB1]  }
0x31: {  	[smem:$0x3FBA] =	sst s10  }
0x32: {  	s10 =	sld [smem:$0x3FB8];
	_ =	sdelay $0x3  }
0x33: {  	p0 =	seq.s32 s10, $0x1;
	s10 =	sld [smem:$0x3FBA];
	_ =	sdelay $0x3  }
0x34: {  	[smem:$0x3FBA] =	sst s10  }
0x35: {  	s10 =	sld [smem:$0x3FB9];
	_ =	sdelay $0x3  }
0x36: {  	p1 =	seq.s32 s10, $0x1;
	s10 =	sld [smem:$0x3FBA];
	_ =	sdelay $0x3  }
0x37: {  	[smem:$0x3FBA] =	sst s10  }
0x38: {  	s10 =	sld [smem:$0x3FBB]  }
0x39: {  	_ = 	snop;
	(pc) =	sbr.ind lr, $3  }
0x3a: {  	_ = 	snop  }
0x3b: {  	_ = 	snop  }
0x3c: {  	p2 =	seq.s32 s10, $0x1;
	s10 =	sld [smem:$0x3FBA]  }
0x3d: {  	_ =	shalt  }
0x3e: {  	_ =	shalt  }
0x3f: {  	_ =	shalt  }
0x40: {  	_ =	shalt  }
0x41: {  	_ =	shalt  }
0x42: {  	_ =	shalt  }
0x43: {  	_ =	shalt  }
0x44: {  	_ =	shalt  }
0x45: {  	_ =	shalt  }
0x46: {  	_ =	shalt  }
0x47: {  	_ =	shalt  }
0x48: {  	_ =	shalt  }
0x49: {  	_ =	shalt  }
0x4a: {  	_ =	shalt  }
0x4b: {  	_ =	shalt  }
0x4c: {  	_ =	shalt  }
0x4d: {  	_ =	shalt  }
0x4e: {  	_ =	shalt  }
0x4f: {  	_ =	shalt  }
0x50: {  	_ =	shalt  }
0x51: {  	_ =	shalt  }
0x52: {  	_ =	shalt  }
0x53: {  	_ =	shalt  }
0x54: {  	_ =	shalt  }
0x55: {  	_ =	shalt  }
0x56: {  	_ =	shalt  }
0x57: {  	_ =	shalt  }
0x58: {  	_ =	shalt  }
0x59: {  	_ =	shalt  }
0x5a: {  	_ =	shalt  }
0x5b: {  	_ =	shalt  }
0x5c: {  	_ =	shalt  }
0x5d: {  	_ =	shalt  }
0x5e: {  	_ =	shalt  }
0x5f: {  	_ =	shalt  }
0x60: {  	_ =	shalt  }
0x61: {  	_ =	shalt  }
0x62: {  	_ =	shalt  }
0x63: {  	_ =	shalt  }
0x64: {  	_ =	shalt  }
0x65: {  	_ =	shalt  }
0x66: {  	_ =	shalt  }
0x67: {  	_ =	shalt  }
0x68: {  	_ =	shalt  }
0x69: {  	_ =	shalt  }
0x6a: {  	_ =	shalt  }
0x6b: {  	_ =	shalt  }
0x6c: {  	_ =	shalt  }
0x6d: {  	_ =	shalt  }
0x6e: {  	_ =	shalt  }
0x6f: {  	_ =	shalt  }
0x70: {  	_ =	shalt  }
0x71: {  	_ =	shalt  }
0x72: {  	_ =	shalt  }
0x73: {  	_ =	shalt  }
0x74: {  	_ =	shalt  }
0x75: {  	_ =	shalt  }
0x76: {  	_ =	shalt  }
0x77: {  	_ =	shalt  }
0x78: {  	_ =	shalt  }
0x79: {  	_ =	shalt  }
0x7a: {  	_ =	shalt  }
0x7b: {  	_ =	shalt  }
0x7c: {  	_ =	shalt  }
0x7d: {  	_ =	shalt  }
0x7e: {  	_ =	shalt  }
0x7f: {  	_ =	shalt  }
0x80: {  	_ =	shalt  }
0x81: {  	_ =	shalt  }
0x82: {  	_ =	shalt  }
0x83: {  	_ =	shalt  }
0x84: {  	_ =	shalt  }
0x85: {  	_ =	shalt  }
0x86: {  	_ =	shalt  }
0x87: {  	_ =	shalt  }
.Lfunc_end0:
.L_simem_size_0:
called_computation_lowered:
.L_overlay_start_0:
0x88: {  	s2 =	sld [smem:$0x3FD9]  }
0x89: {  	s3 =	sld [smem:$0x3FFE];
	_ =	sdelay $0x1  }
0x8a: {  	s1 =	srdreg.scid  }
0x8b: {  	s0 =	sand.u32 $0x1, s1  }
0x8c: {  	s18 =	sshll.u32 s0, $0xA;
	s2 =	sadd.s32 s3, s2  }
0x8d: {  	s2 =	sadd.s32 s2, s18  }
0x8e: {  	[smem:$0x3FC6] =	sst s2  }
0x8f: {  	_ = 	snop  }
0x90: {  	s2 =	sld [smem:$0x3FC9]  }
0x91: {  	s19 =	sld [smem:$0x3FC8]  }
0x92: {  	s4 =	sld [smem:$0x3FD0];
	(tm) =	ssettm $0x1  }
0x93: {  	s5 =	sld [smem:$0x3FFB];
	_ =	sdelay $0x3  }
0x94: {  	_ =	strace s5  }
0x95: {  	s5 =	sld [smem:$0x3FFC];
	_ =	sdelay $0x3  }
0x96: {  	_ =	strace s5  }
0x97: {  	s5 =	sld [smem:$0x3FFD];
	_ =	sdelay $0x3  }
0x98: {  	_ =	strace s5  }
0x99: {  	_ =	strace $0x8FFFFFFF  }
0x9a: {  	s20 =	sld [smem:$0x3FDB];
	_ =	sdelay $0x1  }
0x9b: {  	s6 =	simm.s32 $_scs_section_size  }
0x9c: {  	s7 =	simm.s32 $_size__tile_overlayer_lowered;
	s8 =	simm.s32 $_tile_overlayer_lowered  }
0x9d: {  	s23 =	simm.s32 $0x1BFF;
	s22 =	sshll.u32 s8, $0x1;
	s5 =	sadd.s32 s6, s20  }
0x9e: {  	s9 =	simm.s32 $0x0;
	s21 =	sshll.u32 s7, $0x1;
	s7 =	sadd.s32 s22, s5  }
0x9f: {  	[timem:s9], [sflag:s23] =	dma.local [hbm:s7], s21  }
0xa0: {  	_ =	swait.ge [sflag:s23], s21  }
0xa1: {  	s6 =	ssub.s32 $0x0, s21;
	[sflag:s23] =	ssyncset.done $0x0  }
0xa2: {  	[sflag:s23] =	ssyncadd.s32 s6;
	_ =	sdelay $0x1  }
0xa3: {  	s24 =	simm.s32 $0x1B8B  }
0xa4: {  	_ =	swait.ge [sflag:s24], $0x1  }
0xa5: {  	[sflag:s24] =	ssyncset.done $0x0  }
0xa6: {  	s25 =	simm.s32 $0x1B8E;
	[sflag:s24] =	ssyncadd.s32 $0xFFFFFFFF  }
0xa7: {  	s26 =	simm.s32 $execute0_lowered;
	[smem:$0x3FD2] =	sst s25  }
0xa8: {  	s6 =	sshll.u32 s26, $0x1;
	_ =	strace $0x80000046;
	[dreg:$0x1] =	wrdreg $0xFFFFFFFF  }
0xa9: {  	s28 =	simm.s32 $_size_execute0_lowered;
	s5 =	sadd.s32 s5, s6;
	[dreg:$0x0] =	wrdreg $0x0  }
0xaa: {  	s6 =	sshll.u32 s28, $0x1;
	[dreg:$0x2] =	wrdreg s5  }
0xab: {  	[dreg:$0x3] =	wrdreg s6  }
0xac: {  	[dreg:$0x4] =	wrdreg $0xC0  }
0xad: {  	_ =	task [dreg:s9], $0x5FFFF  }
0xae: {  	[dreg:$0x1] =	wrdreg $0xFFFFFFFF  }
0xaf: {  	[dreg:$0x0] =	wrdreg $0x60  }
0xb0: {  	[dreg:$0x2] =	wrdreg s19  }
0xb1: {  	[dreg:$0x3] =	wrdreg s2  }
0xb2: {  	[dreg:$0x4] =	wrdreg s4  }
0xb3: {  	[dreg:$0x5] =	wrdreg $0xC8000  }
0xb4: {  	[dreg:$0x6] =	wrdreg $0x9  }
0xb5: {  	_ =	task.clear_ibuf [dreg:s9], $0x7FFFF;
	_ =	strace $0x90000046  }
0xb6: {  	s29 =	simm.s32 $0x9;
	_ =	strace $0x80000048  }
0xb7: {  	_ =	swait.ge [sflag:s29], $0x1  }
0xb8: {  	[sflag:s29] =	ssyncadd.s32 $0xFFFFFFFF  }
0xb9: {  	_ =	strace $0x90000048  }
0xba: {  	_ =	sfence  }
0xbb: {  	s30 =	sld [smem:$0x0];
	_ =	sdelay $0x2  }
0xbc: {  	s31 =	sshll.u32 s1, $0xD;
	s1 =	sshrl.u32 s1, $0x2  }
0xbd: {  	s3 =	sand.u32 $0x4000, s31;
	s1 =	sadd.s32 s1, s30  }
0xbe: {  	s0 =	sor.u32 s3, s0;
	s1 =	sshll.u32 s1, $0x11  }
0xbf: {  	s0 =	sor.u32 s1, s0  }
0xc0: {  	s0 =	sadd.s32 $0x8F2B, s0  }
0xc1: {  	[sflag:s0] =	ssyncadd.remote.s32 $0x1  }
0xc2: {  	_ =	sfence.sel $0xFFFF  }
0xc3: {  	[dreg:$0x0] =	wrdreg $0xFFFFFFFF;
	(pc) =	sbr.abs _section_cstart, $3  }
0xc4: {  	[dreg:$0x1] =	wrdreg $0xFFFFFFFF  }
0xc5: {  	_ =	task.clear_ibuf [dreg:s9], $0x2FFFF;
	_ =	strace $0x9FFFFFFF  }
0xc6: {  	(tm) =	ssettm $0x7FFFFFFF  }
0xc7: {  	_ =	shalt  }
tec
execute0_lowered:
.L_overlay_start_1:
0x0: {  	(tag) =	ssettag $0x1  }
0x1: {  	s1 =	rddreg [dreg:$0x0]  }
0x2: {  	s6 =	rddreg [dreg:$0x1]  }
0x3: {  	s2 =	rddreg [dreg:$0x2]  }
0x4: {  	s3 =	rddreg [dreg:$0x3];
	s4 =	simm.s32 $0x0  }
0x5: {  	s0 =	srdreg.scid;
	s12 =	simm.s32 $0x1;
	s28 =	simm.s32 $0x9400  }
0x6: {  	s29 =	simm.s32 $0xA400;
	s30 =	simm.s32 $0xB400;
	s31 =	simm.s32 $0xC400  }
0x7: {  	[smem:$0x7FF] =	sst s4;
	s5 =	sand.u32 $0x1, s0;
	s0 =	stileid.u32  }
0x8: {  	s25 =	sadd.s32 $0x10, s1;
	_ =	strace $0x80000047;
	s7 =	sshll.u32 s5, $0x4  }
0x9: {  	s5 =	ssub.s32 $0x2, s5;
	s8 =	sand.u32 $0x3, s0;
	s11 =	sshll.u32 s0, $0x7  }
0xa: {  	[dreg:$0x12] =	wrdreg s25;
	s7 =	sor.u32 s0, s7;
	s9 =	sshrl.u32 s5, $0x1  }
0xb: {  	p1 =	sne.s32 s8, $0x0;
	s8 =	sshll.u32 s8, $0xD;
	p0 =	seq.s32 s7, $0x0  }
0xc: {  	s5 =	ssub.s32 s5, s9;
	s16 =	sshrl.u32 s7, $0x2;
	s10 =	sshll.u32 s7, $0xC  }
0xd: {  	s13 =	sor.u32 $0x20, s7;
	s15 =	sor.u32 $0x60, s7;
	s24 =	sshll.u32 s7, $0x12  }
0xe: {  	s26 =	sshll.u32 s7, $0xF;
	p0 =	por !p1, !p0;
	s10 =	sor.u32 s11, s10  }
0xf: {  	s14 =	sshll.u32 s13, $0xC;
	[dreg:$0x5] =	wrdreg s24;
	p0 =	por !p0, !p0  }
0x10: {  	s10 =	sand.u32 $0x18380, s10;
	s17 =	sor.u32 s11, s14;
	s12 =	simm.s32 @!p0 $0x0  }
0x11: {  	s10 =	sshrl.u32 s10, $0x3;
	s18 =	sand.u32 $0x38380, s17;
	s17 =	sor.u32 $0x80, s7  }
0x12: {  	p0 =	sne.s32 s0, $0x0;
	s0 =	simm.s32 $0x6400;
	s9 =	ssub.s32 s16, s12  }
0x13: {  	s10 =	sadd.s32 s6, s10;
	s12 =	sor.u32 $0x40, s7;
	s16 =	sshll.u32 s15, $0xC  }
0x14: {  	s14 =	sadd.s32 $0xC0, s9;
	[dreg:$0xb] =	wrdreg s10;
	s10 =	sshrl.u32 s18, $0x3  }
0x15: {  	s19 =	sshll.u32 s12, $0xC;
	s16 =	sor.u32 s11, s16;
	s18 =	sshll.u32 s17, $0xC  }
0x16: {  	s9 =	sshll.u32 s9, $0x7;
	s10 =	sadd.s32 s6, s10;
	s16 =	sand.u32 $0x78380, s16  }
0x17: {  	s18 =	sor.u32 s11, s18;
	s22 =	sshll.u32 s14, $0xC;
	s9 =	sand.u32 $0x380, s9  }
0x18: {  	[dreg:$0xc] =	wrdreg s10;
	s10 =	sor.u32 s11, s19;
	s16 =	sshrl.u32 s16, $0x3  }
0x19: {  	s21 =	sand.u32 $0x98380, s18;
	s18 =	sor.u32 $0xA0, s7;
	s7 =	sshll.u32 s13, $0x12  }
0x1a: {  	s10 =	sand.u32 $0x58380, s10;
	s20 =	sadd.s32 s6, s16;
	s19 =	sshll.u32 s18, $0xC  }
0x1b: {  	s16 =	sand.u32 $0x7FFF8000, s22;
	[dreg:$0x6] =	wrdreg s7;
	s22 =	sshll.u32 s14, $0x12  }
0x1c: {  	s24 =	sshll.u32 s18, $0xF;
	s10 =	sshrl.u32 s10, $0x3;
	[dreg:$0xe] =	wrdreg s20  }
0x1d: {  	s11 =	sor.u32 s11, s19;
	s9 =	sor.u32 s16, s9;
	s16 =	sshll.u32 s15, $0xF  }
0x1e: {  	s19 =	sshll.u32 s17, $0x12;
	s20 =	sshll.u32 s17, $0xF;
	s25 =	sadd.s32 s2, s24  }
0x1f: {  	s24 =	simm.s32 $0x3;
	s10 =	sadd.s32 s6, s10;
	[dreg:$0x9] =	wrdreg s19  }
0x20: {  	s11 =	sand.u32 $0xB8380, s11;
	s9 =	sor.u32 s8, s9;
	[dreg:$0x18] =	wrdreg s25  }
0x21: {  	[dreg:$0xd] =	wrdreg s10;
	s23 =	sshrl.u32 s11, $0x3;
	s11 =	sshll.u32 s12, $0x12  }
0x22: {  	s10 =	sshrl.u32 s21, $0x3;
	s21 =	sadd.s32 s2, s20;
	[dreg:$0x7] =	wrdreg s11  }
0x23: {  	s25 =	simm.s32 $0x7400;
	s10 =	sadd.s32 s6, s10;
	[dreg:$0x17] =	wrdreg s21  }
0x24: {  	s9 =	sshrl.u32 s9, $0x3;
	[dreg:$0xf] =	wrdreg s10;
	s10 =	sadd.s32 s6, s23  }
0x25: {  	s12 =	sshll.u32 s12, $0xF;
	s6 =	sadd.s32 s6, s9;
	[dreg:$0x10] =	wrdreg s10  }
0x26: {  	s9 =	sshll.u32 s13, $0xF;
	s13 =	sshll.u32 s15, $0x12;
	[dreg:$0x11] =	wrdreg s6  }
0x27: {  	s21 =	smax.u32 s5, $0x1;
	s23 =	sshll.u32 s18, $0x12;
	[dreg:$0x8] =	wrdreg s13  }
0x28: {  	s5 =	simm.s32 $0x2;
	s6 =	sadd.s32 s2, s26;
	[dreg:$0xa] =	wrdreg s23  }
0x29: {  	s18 =	sor.u32 s8, s22;
	s10 =	sadd.s32 s2, s9;
	[dreg:$0x13] =	wrdreg s6  }
0x2a: {  	s22 =	simm.s32 $0x80;
	[dreg:$0x14] =	wrdreg s10;
	s6 =	sadd.s32 s2, s12  }
0x2b: {  	s26 =	sshrl.u32 s18, $0x3;
	[dreg:$0x15] =	wrdreg s6;
	s6 =	sadd.s32 s2, s16  }
0x2c: {  	s23 =	simm.s32 $0x400;
	[dreg:$0x16] =	wrdreg s6;
	s6 =	sadd.s32 s2, s26  }
0x2d: {  	s26 =	simm.s32 $0x8400;
	[dreg:$0x19] =	wrdreg s6;
	s6 =	simm.s32 $0x0  }
.LBB2_1:
0x2e: {  	s7 =	rddreg [dreg:$0xb]  }
0x2f: {  	[tilespmem:s4], [sflag:$0x3] =	stream.strided.gather [hbm4b:s7+s22], $0x1000, s23, s22, $0x38;
	[tilespmem:$0x1BC28] =	vst v63  }
0x30: {  	_ =	swait.ge [sflag:s24], $0x1000  }
0x31: {  	[sflag:s24] =	ssyncset.done $0x0  }
0x32: {  	s8 =	simm.s32 $0x1000;
	s15 =	rddreg [dreg:$0xc];
	[sflag:s24] =	ssyncadd.s32 $0xFFFFF000  }
0x33: {  	[tilespmem:s8], [sflag:$0x3] =	stream.strided.gather [hbm4b:s15+s22], $0x1000, s23, s22, $0x38;
	[tilespmem:$0x1BC28] =	vst v63  }
0x34: {  	_ =	swait.ge [sflag:s24], $0x1000  }
0x35: {  	[sflag:s24] =	ssyncset.done $0x0  }
0x36: {  	s17 =	simm.s32 $0x2000;
	s16 =	rddreg [dreg:$0xd];
	[sflag:s24] =	ssyncadd.s32 $0xFFFFF000  }
0x37: {  	[tilespmem:s17], [sflag:$0x3] =	stream.strided.gather [hbm4b:s16+s22], $0x1000, s23, s22, $0x38;
	[tilespmem:$0x1BC28] =	vst v63  }
0x38: {  	_ =	swait.ge [sflag:s24], $0x1000  }
0x39: {  	[sflag:s24] =	ssyncset.done $0x0  }
0x3a: {  	s20 =	simm.s32 $0x3000;
	s19 =	rddreg [dreg:$0xe];
	[sflag:s24] =	ssyncadd.s32 $0xFFFFF000  }
0x3b: {  	[tilespmem:s20], [sflag:$0x3] =	stream.strided.gather [hbm4b:s19+s22], $0x1000, s23, s22, $0x38;
	[tilespmem:$0x1BC28] =	vst v63  }
0x3c: {  	_ =	swait.ge [sflag:s24], $0x1000  }
0x3d: {  	[sflag:s24] =	ssyncset.done $0x0  }
0x3e: {  	s9 =	simm.s32 $0x4000;
	s8 =	rddreg [dreg:$0xf];
	[sflag:s24] =	ssyncadd.s32 $0xFFFFF000  }
0x3f: {  	[tilespmem:s9], [sflag:$0x3] =	stream.strided.gather [hbm4b:s8+s22], $0x1000, s23, s22, $0x38;
	[tilespmem:$0x1BC28] =	vst v63  }
0x40: {  	_ =	swait.ge [sflag:s24], $0x1000  }
0x41: {  	[sflag:s24] =	ssyncset.done $0x0  }
0x42: {  	s11 =	simm.s32 $0x5000;
	s10 =	rddreg [dreg:$0x10];
	[sflag:s24] =	ssyncadd.s32 $0xFFFFF000  }
0x43: {  	[tilespmem:s11], [sflag:$0x3] =	stream.strided.gather [hbm4b:s10+s22], $0x1000, s23, s22, $0x38;
	[tilespmem:$0x1BC28] =	vst v63  }
0x44: {  	_ =	swait.ge [sflag:s24], $0x1000  }
0x45: {  	[sflag:s24] =	ssyncset.done $0x0  }
0x46: {  	s13 =	simm.s32 $0x6000;
	s12 =	rddreg [dreg:$0x11];
	[sflag:s24] =	ssyncadd.s32 $0xFFFFF000  }
0x47: {  	[tilespmem:s13], [sflag:$0x3] =	stream.strided.gather [hbm4b:s12+s22], $0x400, s23, s22, $0x38;
	[tilespmem:$0x1BC28] =	vst v63  }
0x48: {  	_ =	swait.ge [sflag:s24], $0x400  }
0x49: {  	[sflag:s24] =	ssyncset.done $0x0  }
0x4a: {  	[sflag:s24] =	ssyncadd.s32 $0xFFFFFC00  }
0x4b: {  	s7 =	simm.s32 @p0 $0x0;
	s8 =	simm.s32 @p0 $0x6400;
	[bflag:$0x0] =	sbarrier.arrive @p0 $0xFFFF  }
0x4c: {  	[tilespmem:s8], [sflag:$0x3] =	stream.indirect.gather @p0 [spmem:s3], $0x1, s7, s8, $0xb8;
	[tilespmem:$0x1BC28] =	vst v63  }
0x4d: {  	s7 =	simm.s32 @p0 $0x3  }
0x4e: {  	_ =	swait.ge @p0 [sflag:s7], $0x6400  }
0x4f: {  	s9 =	simm.s32 @!p0 $0x10;
	[sflag:s7] =	ssyncset.done @p0 $0x0  }
0x50: {  	s10 =	simm.s32 @!p0 $0x80;
	s11 =	simm.s32 @!p0 $0x1C01;
	[sflag:s7] =	ssyncadd.s32 @p0 $0xFFFF9C00  }
0x51: {  	s8 =	sshrl.u32 @!p0 s3, $0x3;
	s7 =	simm.s32 @!p0 $0x1;
	[bflag:$0x0] =	sbarrier.arrive @p0 $0xFFFF  }
0x52: {  	[spmem:s8@s9], [sflag:s11] =	dma.strided @!p0 [hbm:s1@s10], $0x1E850, s7, $0x10   }
0x53: {  	_ =	swait.ge @!p0 [sflag:s7], $0x1E850  }
0x54: {  	[sflag:s7] =	ssyncset.done @!p0 $0x0  }
0x55: {  	[sflag:s7] =	ssyncadd.s32 @!p0 $0xFFFE17B0  }
0x56: {  	s12 =	simm.s32 @!p0 $0x0;
	s13 =	simm.s32 @!p0 $0x6400;
	[bflag:$0x0] =	sbarrier.arrive @!p0 $0xFFFF  }
0x57: {  	[tilespmem:s13], [sflag:$0x3] =	stream.indirect.gather @!p0 [spmem:s3], $0x1, s12, s13, $0xb8;
	[tilespmem:$0x1BC28] =	vst v63  }
0x58: {  	s12 =	simm.s32 @!p0 $0x3  }
0x59: {  	_ =	swait.ge @!p0 [sflag:s12], $0x6400  }
0x5a: {  	[sflag:s12] =	ssyncset.done @!p0 $0x0  }
0x5b: {  	[sflag:s12] =	ssyncadd.s32 @!p0 $0xFFFF9C00  }
0x5c: {  	[bflag:$0x0] =	sbarrier.arrive @!p0 $0xFFFF  }
0x5d: {  	s12 =	rddreg [dreg:$0x12]  }
0x5e: {  	[spmem:s8@s9], [sflag:s11] =	dma.strided @!p0 [hbm:s12@s10], $0x1E850, s7, $0x10   }
0x5f: {  	s8 =	rddreg [dreg:$0x13]  }
0x60: {  	[hbm4b:s8+s22] =	stream.strided.scatter [tilespmem:s0], [sflag:$0x2], $0x1000, s23, s22, $0x38;
	[tilespmem:$0x1BC28] =	vst v63  }
0x61: {  	s14 =	rddreg [dreg:$0x14]  }
0x62: {  	[hbm4b:s14+s22] =	stream.strided.scatter [tilespmem:s25], [sflag:$0x2], $0x1000, s23, s22, $0x38;
	[tilespmem:$0x1BC28] =	vst v63  }
0x63: {  	s15 =	rddreg [dreg:$0x15]  }
0x64: {  	[hbm4b:s15+s22] =	stream.strided.scatter [tilespmem:s26], [sflag:$0x2], $0x1000, s23, s22, $0x38;
	[tilespmem:$0x1BC28] =	vst v63  }
0x65: {  	s16 =	rddreg [dreg:$0x16]  }
0x66: {  	[hbm4b:s16+s22] =	stream.strided.scatter [tilespmem:s28], [sflag:$0x2], $0x1000, s23, s22, $0x38;
	[tilespmem:$0x1BC28] =	vst v63  }
0x67: {  	s17 =	rddreg [dreg:$0x17]  }
0x68: {  	[hbm4b:s17+s22] =	stream.strided.scatter [tilespmem:s29], [sflag:$0x2], $0x1000, s23, s22, $0x38;
	[tilespmem:$0x1BC28] =	vst v63  }
0x69: {  	s19 =	rddreg [dreg:$0x18]  }
0x6a: {  	[hbm4b:s19+s22] =	stream.strided.scatter [tilespmem:s30], [sflag:$0x2], $0x1000, s23, s22, $0x38;
	[tilespmem:$0x1BC28] =	vst v63  }
0x6b: {  	s20 =	rddreg [dreg:$0x19]  }
0x6c: {  	[hbm4b:s20+s22] =	stream.strided.scatter [tilespmem:s31], [sflag:$0x2], $0x400, s23, s22, $0x38;
	[tilespmem:$0x1BC28] =	vst v63  }
0x6d: {  	_ =	swait.ge @!p0 [sflag:s7], $0x1E850  }
0x6e: {  	[sflag:s7] =	ssyncset.done @!p0 $0x0  }
0x6f: {  	[sflag:s7] =	ssyncadd.s32 @!p0 $0xFFFE17B0  }
0x70: {  	[bflag:$0x0] =	sbarrier.arrive $0xFFFF  }
0x71: {  	_ =	swait.ge [sflag:s5], $0x1000  }
0x72: {  	[sflag:s5] =	ssyncset.done $0x0  }
0x73: {  	[sflag:s5] =	ssyncadd.s32 $0xFFFFF000  }
0x74: {  	_ =	swait.ge [sflag:s5], $0x1000  }
0x75: {  	[sflag:s5] =	ssyncset.done $0x0  }
0x76: {  	[sflag:s5] =	ssyncadd.s32 $0xFFFFF000  }
0x77: {  	_ =	swait.ge [sflag:s5], $0x1000  }
0x78: {  	[sflag:s5] =	ssyncset.done $0x0  }
0x79: {  	[sflag:s5] =	ssyncadd.s32 $0xFFFFF000  }
0x7a: {  	_ =	swait.ge [sflag:s5], $0x1000  }
0x7b: {  	[sflag:s5] =	ssyncset.done $0x0  }
0x7c: {  	[sflag:s5] =	ssyncadd.s32 $0xFFFFF000  }
0x7d: {  	_ =	swait.ge [sflag:s5], $0x1000  }
0x7e: {  	[sflag:s5] =	ssyncset.done $0x0  }
0x7f: {  	[sflag:s5] =	ssyncadd.s32 $0xFFFFF000  }
0x80: {  	p1 =	por @!p0 $0x0, $0x0;
	_ =	swait.ge [sflag:s5], $0x1000  }
0x81: {  	p2 =	por p1, p0;
	[sflag:s5] =	ssyncset.done $0x0  }
0x82: {  	s9 =	simm.s32 @!p2 $0x0;
	s11 =	simm.s32 $0x1000;
	[sflag:s5] =	ssyncadd.s32 $0xFFFFF000  }
0x83: {  	s9 =	smul.u32 @!p2 $0x7A1400, s9;
	s8 =	simm.s32 $0x100;
	_ =	swait.ge [sflag:s5], $0x400  }
0x84: {  	s12 =	simm.s32 $0x100;
	s10 =	sand.u32 @!p2 $0x380, s8;
	[sflag:s5] =	ssyncset.done $0x0  }
0x85: {  	s10 =	sor.u32 @!p2 s10, s9;
	s9 =	simm.s32 $0x3;
	[sflag:s5] =	ssyncadd.s32 $0xFFFFFC00  }
0x86: {  	[tilespmem:s0], [sflag:$0x3] =	stream.indirect.gather [spmem:s3], $0x1, s4, s0, $0xb8;
	[tilespmem:$0x1BC28] =	vst v63  }
0x87: {  	s14 =	simm.s32 @!p2 $0x1;
	s10 =	sshrl.u32 @!p2 s10, $0x3;
	_ =	swait.ge [sflag:s24], $0x6400  }
0x88: {  	s15 =	sadd.s32 @!p2 s1, s10;
	s10 =	simm.s32 $0x1000;
	[sflag:s24] =	ssyncset.done $0x0  }
.LBB2_2:
0x89: {  	[sflag:s24] =	ssyncadd.s32 $0xFFFF9C00;
	s16 =	simm.s32 @!p2 $0x80;
	s17 =	simm.s32 @!p2 $0x1C01  }
0x8a: {  	s19 =	sshrl.u32 @!p2 s3, $0x3;
	s20 =	simm.s32 @!p2 $0x10;
	[bflag:$0x0] =	sbarrier.arrive $0xFFFF  }
0x8b: {  	[spmem:s19@s20], [sflag:s17] =	dma.strided @!p2 [hbm:s15@s16], $0x1E850, s14, $0x10   }
0x8c: {  	s14 =	rddreg [dreg:$0x5]  }
0x8d: {  	s15 =	rddreg [dreg:$0x7]  }
0x8e: {  	s16 =	rddreg [dreg:$0x9]  }
0x8f: {  	s17 =	rddreg [dreg:$0x6]  }
0x90: {  	s11 =	sand.u32 $0x78000, s11;
	s12 =	sadd.s32 $0xFFFFFF80, s12;
	s19 =	rddreg [dreg:$0x8]  }
0x91: {  	s12 =	sand.u32 $0x380, s12;
	s20 =	rddreg [dreg:$0xa];
	s14 =	sadd.s32 s14, s11  }
0x92: {  	s15 =	sadd.s32 s15, s11;
	s16 =	sadd.s32 s16, s11;
	s14 =	sor.u32 s12, s14  }
0x93: {  	s17 =	sadd.s32 s17, s11;
	s19 =	sadd.s32 s19, s11;
	s14 =	sshrl.u32 s14, $0x3  }
0x94: {  	s15 =	sor.u32 s12, s15;
	s17 =	sor.u32 s12, s17;
	s14 =	sadd.s32 s2, s14  }
0x95: {  	[hbm4b:s14+s22] =	stream.strided.scatter [tilespmem:s0], [sflag:$0x2], $0x1000, s23, s22, $0x38;
	[tilespmem:$0x1BC28] =	vst v63  }
0x96: {  	s16 =	sor.u32 s12, s16;
	s15 =	sshrl.u32 s15, $0x3;
	s14 =	sshrl.u32 s17, $0x3  }
0x97: {  	s16 =	sshrl.u32 s16, $0x3;
	s17 =	sor.u32 s12, s19;
	s14 =	sadd.s32 s2, s14  }
0x98: {  	[hbm4b:s14+s22] =	stream.strided.scatter [tilespmem:s25], [sflag:$0x2], $0x1000, s23, s22, $0x38;
	[tilespmem:$0x1BC28] =	vst v63  }
0x99: {  	s15 =	sadd.s32 s2, s15;
	s19 =	sadd.s32 s20, s11;
	s17 =	sshrl.u32 s17, $0x3  }
0x9a: {  	[hbm4b:s15+s22] =	stream.strided.scatter [tilespmem:s26], [sflag:$0x2], $0x1000, s23, s22, $0x38;
	[tilespmem:$0x1BC28] =	vst v63  }
0x9b: {  	s11 =	sadd.s32 s18, s11;
	s20 =	sadd.s32 s2, s17;
	s15 =	sor.u32 s12, s19  }
0x9c: {  	[hbm4b:s20+s22] =	stream.strided.scatter [tilespmem:s28], [sflag:$0x2], $0x1000, s23, s22, $0x38;
	[tilespmem:$0x1BC28] =	vst v63  }
0x9d: {  	s16 =	sadd.s32 s2, s16;
	s11 =	sor.u32 s12, s11;
	s17 =	sshrl.u32 s15, $0x3  }
0x9e: {  	[hbm4b:s16+s22] =	stream.strided.scatter [tilespmem:s29], [sflag:$0x2], $0x1000, s23, s22, $0x38;
	[tilespmem:$0x1BC28] =	vst v63  }
0x9f: {  	s19 =	sshrl.u32 s11, $0x3;
	s14 =	sadd.s32 s2, s17  }
0xa0: {  	[hbm4b:s14+s22] =	stream.strided.scatter [tilespmem:s30], [sflag:$0x2], $0x1000, s23, s22, $0x38;
	[tilespmem:$0x1BC28] =	vst v63  }
0xa1: {  	s20 =	sadd.s32 s2, s19  }
0xa2: {  	[hbm4b:s20+s22] =	stream.strided.scatter [tilespmem:s31], [sflag:$0x2], $0x400, s23, s22, $0x38;
	[tilespmem:$0x1BC28] =	vst v63  }
0xa3: {  	_ =	swait.ge @!p0 [sflag:s7], $0x1E850  }
0xa4: {  	[sflag:s7] =	ssyncset.done @!p0 $0x0  }
0xa5: {  	[sflag:s7] =	ssyncadd.s32 @!p0 $0xFFFE17B0  }
0xa6: {  	[bflag:$0x0] =	sbarrier.arrive $0xFFFF  }
0xa7: {  	_ =	swait.ge [sflag:s5], $0x1000  }
0xa8: {  	[sflag:s5] =	ssyncset.done $0x0  }
0xa9: {  	[sflag:s5] =	ssyncadd.s32 $0xFFFFF000  }
0xaa: {  	_ =	swait.ge [sflag:s5], $0x1000  }
0xab: {  	[sflag:s5] =	ssyncset.done $0x0  }
0xac: {  	[sflag:s5] =	ssyncadd.s32 $0xFFFFF000  }
0xad: {  	_ =	swait.ge [sflag:s5], $0x1000  }
0xae: {  	[sflag:s5] =	ssyncset.done $0x0  }
0xaf: {  	[sflag:s5] =	ssyncadd.s32 $0xFFFFF000  }
0xb0: {  	_ =	swait.ge [sflag:s5], $0x1000  }
0xb1: {  	[sflag:s5] =	ssyncset.done $0x0  }
0xb2: {  	[sflag:s5] =	ssyncadd.s32 $0xFFFFF000  }
0xb3: {  	_ =	swait.ge [sflag:s5], $0x1000  }
0xb4: {  	[sflag:s5] =	ssyncset.done $0x0  }
0xb5: {  	s13 =	smov.u32 s9;
	[sflag:s5] =	ssyncadd.s32 $0xFFFFF000  }
0xb6: {  	s9 =	sadd.s32 $0x1, s9;
	p2 =	seq.s32 @!p0 s13, $0x40;
	_ =	swait.ge [sflag:s5], $0x1000  }
0xb7: {  	s10 =	sadd.s32 $0x1000, s10;
	p2 =	por p2, p0;
	[sflag:s5] =	ssyncset.done $0x0  }
0xb8: {  	s8 =	sadd.s32 $0x80, s8;
	s13 =	sshrl.u32 @!p2 s13, $0x3;
	[sflag:s5] =	ssyncadd.s32 $0xFFFFF000  }
0xb9: {  	p1 =	sne.s32 s9, $0x41;
	s13 =	smul.u32 @!p2 $0x7A1400, s13;
	_ =	swait.ge [sflag:s5], $0x400  }
.Ltmp0:
0xba: {  	s15 =	sand.u32 @!p2 $0x380, s8;
	[sflag:s5] =	ssyncset.done $0x0;
	(pc) =	sbr.rel @p1 .LBB2_2-.Ltmp0, $4  }
0xbb: {  	s11 =	smov.u32 s10;
	s13 =	sor.u32 @!p2 s15, s13;
	[sflag:s5] =	ssyncadd.s32 $0xFFFFFC00  }
0xbc: {  	[tilespmem:s0], [sflag:$0x3] =	stream.indirect.gather [spmem:s3], $0x1, s4, s0, $0xb8;
	[tilespmem:$0x1BC28] =	vst v63  }
0xbd: {  	s12 =	smov.u32 s8;
	s13 =	sshrl.u32 @!p2 s13, $0x3;
	_ =	swait.ge [sflag:s24], $0x6400  }
0xbe: {  	s15 =	sadd.s32 @!p2 s1, s13;
	s14 =	simm.s32 @!p2 $0x1;
	[sflag:s24] =	ssyncset.done $0x0  }
0xbf: {  	[sflag:s24] =	ssyncadd.s32 $0xFFFF9C00;
	s7 =	simm.s32 @!p2 $0x80;
	s8 =	simm.s32 @!p2 $0x1C01  }
0xc0: {  	s9 =	sshrl.u32 @!p2 s3, $0x3;
	s10 =	simm.s32 @!p2 $0x10;
	[bflag:$0x0] =	sbarrier.arrive $0xFFFF  }
0xc1: {  	[spmem:s9@s10], [sflag:s8] =	dma.strided @!p2 [hbm:s15@s7], $0x1E850, s14, $0x10   }
0xc2: {  	s7 =	rddreg [dreg:$0x5]  }
0xc3: {  	s8 =	rddreg [dreg:$0x7]  }
0xc4: {  	s14 =	rddreg [dreg:$0x9]  }
0xc5: {  	s13 =	sadd.s32 $0xFFFFFF80, s12;
	s15 =	rddreg [dreg:$0x6]  }
0xc6: {  	s9 =	sand.u32 $0x78000, s11;
	s10 =	sand.u32 $0x380, s13;
	s13 =	rddreg [dreg:$0x8]  }
0xc7: {  	s20 =	rddreg [dreg:$0xa];
	s7 =	sadd.s32 s7, s9  }
0xc8: {  	s8 =	sadd.s32 s8, s9;
	s11 =	sadd.s32 s14, s9;
	s12 =	sadd.s32 s15, s9  }
0xc9: {  	s19 =	sadd.s32 s13, s9;
	s15 =	sadd.s32 s20, s9;
	s7 =	sor.u32 s10, s7  }
0xca: {  	s8 =	sor.u32 s10, s8;
	s17 =	sor.u32 s10, s12;
	s7 =	sshrl.u32 s7, $0x3  }
0xcb: {  	s16 =	sshrl.u32 s8, $0x3;
	s8 =	sshrl.u32 s17, $0x3;
	s7 =	sadd.s32 s2, s7  }
0xcc: {  	[hbm4b:s7+s22] =	stream.strided.scatter [tilespmem:s0], [sflag:$0x2], $0x1000, s23, s22, $0x38;
	[tilespmem:$0x1BC28] =	vst v63  }
0xcd: {  	s12 =	sor.u32 s10, s19;
	s11 =	sor.u32 s10, s11;
	s8 =	sadd.s32 s2, s8  }
0xce: {  	[hbm4b:s8+s22] =	stream.strided.scatter [tilespmem:s25], [sflag:$0x2], $0x1000, s23, s22, $0x38;
	[tilespmem:$0x1BC28] =	vst v63  }
0xcf: {  	s12 =	sshrl.u32 s12, $0x3;
	s14 =	sshrl.u32 s11, $0x3;
	s7 =	sadd.s32 s2, s16  }
0xd0: {  	[hbm4b:s7+s22] =	stream.strided.scatter [tilespmem:s26], [sflag:$0x2], $0x1000, s23, s22, $0x38;
	[tilespmem:$0x1BC28] =	vst v63  }
0xd1: {  	s11 =	sor.u32 s10, s15;
	s17 =	sadd.s32 s2, s12;
	s16 =	sadd.s32 s18, s9  }
0xd2: {  	[hbm4b:s17+s22] =	stream.strided.scatter [tilespmem:s28], [sflag:$0x2], $0x1000, s23, s22, $0x38;
	[tilespmem:$0x1BC28] =	vst v63  }
0xd3: {  	s19 =	sshrl.u32 s11, $0x3;
	s8 =	sadd.s32 s2, s14;
	s7 =	sor.u32 s10, s16  }
0xd4: {  	[hbm4b:s8+s22] =	stream.strided.scatter [tilespmem:s29], [sflag:$0x2], $0x1000, s23, s22, $0x38;
	[tilespmem:$0x1BC28] =	vst v63  }
0xd5: {  	s20 =	sadd.s32 s2, s19;
	s7 =	sshrl.u32 s7, $0x3  }
0xd6: {  	[hbm4b:s20+s22] =	stream.strided.scatter [tilespmem:s30], [sflag:$0x2], $0x1000, s23, s22, $0x38;
	[tilespmem:$0x1BC28] =	vst v63  }
0xd7: {  	s7 =	sadd.s32 s2, s7  }
0xd8: {  	[hbm4b:s7+s22] =	stream.strided.scatter [tilespmem:s31], [sflag:$0x2], $0x400, s23, s22, $0x38;
	[tilespmem:$0x1BC28] =	vst v63  }
0xd9: {  	_ =	swait.ge [sflag:s5], $0x1000  }
0xda: {  	[sflag:s5] =	ssyncset.done $0x0  }
0xdb: {  	[sflag:s5] =	ssyncadd.s32 $0xFFFFF000  }
0xdc: {  	_ =	swait.ge [sflag:s5], $0x1000  }
0xdd: {  	[sflag:s5] =	ssyncset.done $0x0  }
0xde: {  	[sflag:s5] =	ssyncadd.s32 $0xFFFFF000  }
0xdf: {  	_ =	swait.ge [sflag:s5], $0x1000  }
0xe0: {  	[sflag:s5] =	ssyncset.done $0x0  }
0xe1: {  	[sflag:s5] =	ssyncadd.s32 $0xFFFFF000  }
0xe2: {  	_ =	swait.ge [sflag:s5], $0x1000  }
0xe3: {  	[sflag:s5] =	ssyncset.done $0x0  }
0xe4: {  	[sflag:s5] =	ssyncadd.s32 $0xFFFFF000  }
0xe5: {  	_ =	swait.ge [sflag:s5], $0x1000  }
0xe6: {  	[sflag:s5] =	ssyncset.done $0x0  }
0xe7: {  	s6 =	sadd.s32 $0x1, s6;
	[sflag:s5] =	ssyncadd.s32 $0xFFFFF000  }
0xe8: {  	p1 =	sne.s32 s6, s21;
	_ =	swait.ge [sflag:s5], $0x1000  }
.Ltmp1:
0xe9: {  	[sflag:s5] =	ssyncset.done $0x0;
	(pc) =	sbr.rel @p1 .LBB2_1-.Ltmp1, $4  }
0xea: {  	[sflag:s5] =	ssyncadd.s32 $0xFFFFF000  }
0xeb: {  	_ =	swait.ge [sflag:s5], $0x400  }
0xec: {  	[sflag:s5] =	ssyncset.done $0x0  }
0xed: {  	[sflag:s5] =	ssyncadd.s32 $0xFFFFFC00  }
0xee: {  	_ =	sfence.sel $0x180000  }
0xef: {  	[bflag:$0x0] =	sbarrier.arrive $0xFFFF  }
0xf0: {  	_ =	strace $0x90000047  }
0xf1: {  	[bflag:$0x2] =	sbarrier.arrive $0xFFFF  }
0xf2: {  	s0 =	rddreg [dreg:$0x4]  }
0xf3: {  	s0 =	sadd.s32 @!p0 $0x100000, s0  }
0xf4: {  	[sflag:s0] =	ssyncadd.tile.s32 @!p0 $0x1;
	_ =	shalt  }
.Lfunc_end2:
_tile_overlayer_lowered:
.L_overlay_start_2:
0xf5: {  	(tag) =	ssettag $0x2  }
0xf6: {  	s0 =	rddreg [dreg:$0x0];
	s2 =	stileid.u32  }
0xf7: {  	s1 =	rddreg [dreg:$0x1];
	p0 =	sne.s32 s2, $0x0  }
0xf8: {  	s3 =	rddreg [dreg:$0x2];
	[bflag:$0x3] =	sbarrier.arrive $0xFFFF;
	s2 =	simm.s32 @!p0 $0x1C03  }
0xf9: {  	[timem:s3], [sflag:s2] =	dma.local @!p0 [hbm:s0], s1  }
0xfa: {  	s0 =	simm.s32 @!p0 $0x3  }
0xfb: {  	_ =	swait.ge @!p0 [sflag:s0], s1  }
0xfc: {  	s1 =	ssub.s32 @!p0 $0x0, s1;
	[sflag:s0] =	ssyncset.done @!p0 $0x0  }
0xfd: {  	[sflag:s0] =	ssyncadd.s32 @!p0 s1  }
0xfe: {  	[bflag:$0x3] =	sbarrier.arrive $0xFFFF  }
0xff: {  	_ =	shalt  }

</sc_bundles>
